<compile_context>
chip_gen: v7x
topology: tpu7x:2x2x1
jax: 0.10.2.dev20260603
libtpu: 0.0.44.dev20260713+nightly
codegen_flags: <defaults>
</compile_context>

<pallas_src>
import jax
import jax.numpy as jnp
import numpy as np
from jax import lax
from jax.experimental import pallas as pl
from jax.experimental.pallas import tpu as pltpu
from jax.experimental.pallas import tpu_sc as plsc

B = 8
N = 4096
D = 64
S = 512
K = 32
R2 = np.float32(0.2 ** 2)
NTOT = np.float32(B * S * K)

f32 = jnp.float32
i32 = jnp.int32


def _rn_bf16(x):
    b = lax.bitcast_convert_type(x, jnp.uint32)
    lsb = lax.shift_right_logical(b, jnp.uint32(16)) & jnp.uint32(1)
    r = (b + jnp.uint32(0x7FFF) + lsb) & jnp.uint32(0xFFFF0000)
    return lax.bitcast_convert_type(r, f32)



def _fps_body(xyz_ref, far0_ref, nx_ref):
    xr = xyz_ref[0]
    yr = xyz_ref[1]
    zr = xyz_ref[2]
    lane = lax.broadcasted_iota(i32, (B, N), 1)

    def step(i, carry):
        far, prev = carry
        onehot = lane == far
        neg = jnp.float32(-1.0)
        cx = jnp.max(jnp.where(onehot, xr, neg), axis=1, keepdims=True)
        cy = jnp.max(jnp.where(onehot, yr, neg), axis=1, keepdims=True)
        cz = jnp.max(jnp.where(onehot, zr, neg), axis=1, keepdims=True)
        nx_ref[pl.ds(i, 1)] = jnp.concatenate([cx, cy, cz], axis=1).reshape(1, B, 3)
        dx = xr - cx
        dy = yr - cy
        dz = zr - cz
        cur = (dx * dx + dy * dy) + dz * dz
        prev = jnp.minimum(prev, cur)
        m = jnp.max(prev, axis=1, keepdims=True)
        cand = jnp.where(prev == m, lane, N)
        far = jnp.min(cand, axis=1, keepdims=True)
        return far, prev

    far0 = far0_ref[:, 0:1]
    prev0 = jnp.full((B, N), 1e10, dtype=f32)
    lax.fori_loop(0, S, step, (far0, prev0))


def _fps(xyz_t, far0):
    return pl.pallas_call(
        _fps_body,
        out_shape=jax.ShapeDtypeStruct((S, B, 3), f32),
    )(xyz_t, far0)



NC = 2
NS = 16
NW = NC * NS
QPW = S // (NW // B)
WPB = NW // B


def _splat(v, dtype=i32):
    return jnp.full((16,), v, dtype=dtype)


def _sc_body(xyzt, xyzbt, cents, centsb, points, gn_out, gf_out,
             xs, ys, zs, xb, yb, zb, pnv, cf, cbf, idxb, idxg, gns,
             fbuf, fbuf2, sem, sem2):
    wid = lax.axis_index("s") * NC + lax.axis_index("c")
    b = wid // WPB
    q = wid % WPB
    iota = lax.iota(i32, 16)

    pltpu.sync_copy(xyzt.at[pl.ds((b * 3 + 0) * N, N)], xs)
    pltpu.sync_copy(xyzt.at[pl.ds((b * 3 + 1) * N, N)], ys)
    pltpu.sync_copy(xyzt.at[pl.ds((b * 3 + 2) * N, N)], zs)
    pltpu.sync_copy(xyzbt.at[pl.ds((b * 3 + 0) * N, N)], xb)
    pltpu.sync_copy(xyzbt.at[pl.ds((b * 3 + 1) * N, N)], yb)
    pltpu.sync_copy(xyzbt.at[pl.ds((b * 3 + 2) * N, N)], zb)
    pltpu.sync_copy(cents.at[pl.ds((b * S + q * QPW) * 4, QPW * 4)], cf)
    pltpu.sync_copy(centsb.at[pl.ds((b * S + q * QPW) * 4, QPW * 4)], cbf)

    def pn_step(j, _):
        sl = pl.ds(j * 16, 16)
        px = xs[sl]
        py = ys[sl]
        pz = zs[sl]
        pnv[sl] = (px * px + py * py) + pz * pz
        return 0

    lax.fori_loop(0, N // 16, pn_step, 0)

    def sel_row(r, _):
        rs = _splat(4 * r)
        cx2 = plsc.load_gather(cbf, [rs]) * f32(-2.0)
        cy2 = plsc.load_gather(cbf, [rs + 1]) * f32(-2.0)
        cz2 = plsc.load_gather(cbf, [rs + 2]) * f32(-2.0)
        cx = plsc.load_gather(cf, [rs])
        cy = plsc.load_gather(cf, [rs + 1])
        cz = plsc.load_gather(cf, [rs + 2])
        cn = (cx * cx + cy * cy) + cz * cz

        def cond(carry):
            j0, cnt = carry
            return (j0 < N) & jnp.any(cnt < K)

        def body(carry):
            j0, cnt = carry
            masks = []
            for u in range(4):
                sl = pl.ds(j0 + 16 * u, 16)
                px = xb[sl]
                py = yb[sl]
                pz = zb[sl]
                dot2 = (px * cx2 + py * cy2) + pz * cz2
                d2 = (dot2 + cn) + pnv[sl]
                masks.append(d2 <= R2)
            anyhit = jnp.any(masks[0] | masks[1] | masks[2] | masks[3])

            def do_sel(cnt_in):
                c = cnt_in
                for u in range(4):
                    mask = masks[u]
                    cs = plsc.cumsum(mask.astype(i32))
                    pos = cs + (c - 1)
                    okm = mask & (pos < K)
                    plsc.store_scatter(idxb, [pos + K * r],
                                       (j0 + 16 * u) + iota, mask=okm)
                    c = c + plsc.all_reduce_population_count(mask)
                return c

            cnt = lax.cond(anyhit, do_sel, lambda c: c, cnt)
            return j0 + 64, cnt

        _, cnt_s = lax.while_loop(cond, body,
                                  (jnp.int32(0), jnp.zeros((16,), i32)))

        first = plsc.load_gather(idxb, [_splat(K * r)])
        boff = b * N
        for c in range(K // 16):
            sl = pl.ds(K * r + 16 * c, 16)
            cur = idxb[sl]
            sel = jnp.where((iota + 16 * c) < cnt_s, cur, first)
            idxb[sl] = sel
            idxg[sl] = sel + boff
        return 0

    lax.fori_loop(0, QPW, sel_row, 0)

    half = f32(0.5)
    three_half = f32(1.5)
    magic = jnp.int32(0x5F3759DF)

    def norm_row(r, _):
        i0 = idxb[pl.ds(K * r, 16)]
        i1 = idxb[pl.ds(K * r + 16, 16)]
        gx0 = plsc.load_gather(xs, [i0])
        gx1 = plsc.load_gather(xs, [i1])
        gy0 = plsc.load_gather(ys, [i0])
        gy1 = plsc.load_gather(ys, [i1])
        gz0 = plsc.load_gather(zs, [i0])
        gz1 = plsc.load_gather(zs, [i1])
        inv_k = f32(1.0 / K)
        mx = (jnp.sum(gx0) + jnp.sum(gx1)) * inv_k
        my = (jnp.sum(gy0) + jnp.sum(gy1)) * inv_k
        mz = (jnp.sum(gz0) + jnp.sum(gz1)) * inv_k
        sx0 = gx0 - mx
        sy0 = gy0 - my
        sz0 = gz0 - mz
        sx1 = gx1 - mx
        sy1 = gy1 - my
        sz1 = gz1 - mz
        n20 = (sx0 * sx0 + sy0 * sy0) + sz0 * sz0
        n21 = (sx1 * sx1 + sy1 * sy1) + sz1 * sz1
        m2 = jnp.maximum(jnp.max(n20), jnp.max(n21))
        m2v = _splat(m2, f32)
        yv = plsc.bitcast(magic - lax.shift_right_arithmetic(plsc.bitcast(m2v, i32), 1), f32)
        for _it in range(4):
            yv = yv * (three_half - half * m2v * yv * yv)
        rows0 = K * r + iota
        rows1 = K * r + 16 + iota
        zero16 = jnp.zeros((16,), f32)
        plsc.store_scatter(gns, [rows0, _splat(0)], sx0 * yv)
        plsc.store_scatter(gns, [rows0, _splat(1)], sy0 * yv)
        plsc.store_scatter(gns, [rows0, _splat(2)], sz0 * yv)
        plsc.store_scatter(gns, [rows0, _splat(3)], zero16)
        plsc.store_scatter(gns, [rows1, _splat(0)], sx1 * yv)
        plsc.store_scatter(gns, [rows1, _splat(1)], sy1 * yv)
        plsc.store_scatter(gns, [rows1, _splat(2)], sz1 * yv)
        plsc.store_scatter(gns, [rows1, _splat(3)], zero16)
        return 0

    lax.fori_loop(0, QPW, norm_row, 0)

    rows_per_dma = 128 // K
    n_dma = QPW // rows_per_dma

    row0 = b * (S * K) + q * (QPW * K)

    pltpu.async_copy(points.at[idxg.at[pl.ds(0, 128)]], fbuf, sem)

    def feat_step(h, _):
        g0 = 2 * h
        id1 = idxg.at[pl.ds((g0 + 1) * 128, 128)]
        pltpu.async_copy(points.at[id1], fbuf2, sem2)
        id0 = idxg.at[pl.ds(g0 * 128, 128)]
        pltpu.make_async_copy(points.at[id0], fbuf, sem).wait()
        pltpu.sync_copy(fbuf, gf_out.at[pl.ds(row0 + g0 * 128, 128)])

        @pl.when(h < n_dma // 2 - 1)
        def _():
            idn = idxg.at[pl.ds((g0 + 2) * 128, 128)]
            pltpu.async_copy(points.at[idn], fbuf, sem)

        pltpu.make_async_copy(points.at[id1], fbuf2, sem2).wait()
        pltpu.sync_copy(fbuf2, gf_out.at[pl.ds(row0 + (g0 + 1) * 128, 128)])
        return 0

    lax.fori_loop(0, n_dma // 2, feat_step, 0)

    pltpu.sync_copy(gns, gn_out.at[pl.ds(row0, QPW * K)])


def _ball_group(xyzt, xyzbt, cents, centsb, points):
    mesh = plsc.VectorSubcoreMesh(core_axis_name="c", subcore_axis_name="s")
    kern = pl.kernel(
        _sc_body,
        out_type=[
            jax.ShapeDtypeStruct((B * S * K, 4), f32),
            jax.ShapeDtypeStruct((B * S * K, D), f32),
        ],
        mesh=mesh,
        compiler_params=pltpu.CompilerParams(
            needs_layout_passes=False, use_tc_tiling_on_sc=False),
        scratch_types=[
            pltpu.VMEM((N,), f32),
            pltpu.VMEM((N,), f32),
            pltpu.VMEM((N,), f32),
            pltpu.VMEM((N,), f32),
            pltpu.VMEM((N,), f32),
            pltpu.VMEM((N,), f32),
            pltpu.VMEM((N,), f32),
            pltpu.VMEM((QPW * 4,), f32),
            pltpu.VMEM((QPW * 4,), f32),
            pltpu.VMEM((QPW * K,), i32),
            pltpu.VMEM((QPW * K,), i32),
            pltpu.VMEM((QPW * K, 4), f32),
            pltpu.VMEM((128, D), f32),
            pltpu.VMEM((128, D), f32),
            pltpu.SemaphoreType.DMA,
            pltpu.SemaphoreType.DMA,
        ],
    )
    return kern(xyzt, xyzbt, cents, centsb, points)



RT = 8192
NT = (S * K) // RT


def _layer1_body(gn_ref, gf_ref, wn_ref, wf_ref, bias_ref, z_ref, st_ref):
    bi = pl.program_id(0)
    ti = pl.program_id(1)
    z = jnp.dot(gf_ref[0], wf_ref[...], preferred_element_type=f32)
    z = z + jnp.dot(gn_ref[0], wn_ref[...], preferred_element_type=f32)
    z = z + bias_ref[0:1, :]
    z_ref[0] = z

    @pl.when((bi == 0) & (ti == 0))
    def _():
        st_ref[...] = jnp.zeros_like(st_ref)

    st_ref[0:1, :] += jnp.sum(z, axis=0, keepdims=True)
    st_ref[1:2, :] += jnp.sum(z * z, axis=0, keepdims=True)


def _layer1(gn, gf, wn_t, wf_t, bias):
    cout = wf_t.shape[1]
    return pl.pallas_call(
        _layer1_body,
        grid=(B, NT),
        in_specs=[
            pl.BlockSpec((1, RT, 4), lambda b, t: (b, t, 0)),
            pl.BlockSpec((1, RT, D), lambda b, t: (b, t, 0)),
            pl.BlockSpec((4, cout), lambda b, t: (0, 0)),
            pl.BlockSpec((D, cout), lambda b, t: (0, 0)),
            pl.BlockSpec((8, cout), lambda b, t: (0, 0)),
        ],
        out_specs=[
            pl.BlockSpec((1, RT, cout), lambda b, t: (b, t, 0)),
            pl.BlockSpec((8, cout), lambda b, t: (0, 0)),
        ],
        out_shape=[
            jax.ShapeDtypeStruct((B, S * K, cout), f32),
            jax.ShapeDtypeStruct((8, cout), f32),
        ],
    )(gn, gf, wn_t, wf_t, bias)


def _layer_body(x_ref, w_ref, a_ref, c_ref, bias_ref, z_ref, st_ref):
    bi = pl.program_id(0)
    ti = pl.program_id(1)
    y = jnp.maximum(x_ref[0] * a_ref[0:1, :] + c_ref[0:1, :], 0.0)
    z = jnp.dot(y, w_ref[...], preferred_element_type=f32) + bias_ref[0:1, :]
    z_ref[0] = z

    @pl.when((bi == 0) & (ti == 0))
    def _():
        st_ref[...] = jnp.zeros_like(st_ref)

    st_ref[0:1, :] += jnp.sum(z, axis=0, keepdims=True)
    st_ref[1:2, :] += jnp.sum(z * z, axis=0, keepdims=True)


def _layer(x, w_t, a, c, bias):
    cin, cout = w_t.shape
    return pl.pallas_call(
        _layer_body,
        grid=(B, NT),
        in_specs=[
            pl.BlockSpec((1, RT, cin), lambda b, t: (b, t, 0)),
            pl.BlockSpec((cin, cout), lambda b, t: (0, 0)),
            pl.BlockSpec((8, cin), lambda b, t: (0, 0)),
            pl.BlockSpec((8, cin), lambda b, t: (0, 0)),
            pl.BlockSpec((8, cout), lambda b, t: (0, 0)),
        ],
        out_specs=[
            pl.BlockSpec((1, RT, cout), lambda b, t: (b, t, 0)),
            pl.BlockSpec((8, cout), lambda b, t: (0, 0)),
        ],
        out_shape=[
            jax.ShapeDtypeStruct((B, S * K, cout), f32),
            jax.ShapeDtypeStruct((8, cout), f32),
        ],
    )(x, w_t, a, c, bias)


def _layer3_stats_body(x_ref, w_ref, a_ref, c_ref, bias_ref, st_ref):
    bi = pl.program_id(0)
    ti = pl.program_id(1)
    y = jnp.maximum(x_ref[0] * a_ref[0:1, :] + c_ref[0:1, :], 0.0)
    z = jnp.dot(y, w_ref[...], preferred_element_type=f32) + bias_ref[0:1, :]

    @pl.when((bi == 0) & (ti == 0))
    def _():
        st_ref[...] = jnp.zeros_like(st_ref)

    st_ref[0:1, :] += jnp.sum(z, axis=0, keepdims=True)
    st_ref[1:2, :] += jnp.sum(z * z, axis=0, keepdims=True)


def _layer3_stats(x, w_t, a, c, bias):
    cin, cout = w_t.shape
    return pl.pallas_call(
        _layer3_stats_body,
        grid=(B, NT),
        in_specs=[
            pl.BlockSpec((1, RT, cin), lambda b, t: (b, t, 0)),
            pl.BlockSpec((cin, cout), lambda b, t: (0, 0)),
            pl.BlockSpec((8, cin), lambda b, t: (0, 0)),
            pl.BlockSpec((8, cin), lambda b, t: (0, 0)),
            pl.BlockSpec((8, cout), lambda b, t: (0, 0)),
        ],
        out_specs=pl.BlockSpec((8, cout), lambda b, t: (0, 0)),
        out_shape=jax.ShapeDtypeStruct((8, cout), f32),
    )(x, w_t, a, c, bias)


def _final_body(x_ref, w_ref, a_ref, c_ref, bias_ref, a3_ref, c3_ref, o_ref):
    y = jnp.maximum(x_ref[0] * a_ref[0:1, :] + c_ref[0:1, :], 0.0)
    z = jnp.dot(y, w_ref[...], preferred_element_type=f32) + bias_ref[0:1, :]
    y3 = jnp.maximum(z * a3_ref[0:1, :] + c3_ref[0:1, :], 0.0)
    y3r = y3.reshape(RT // K, K, y3.shape[1])
    m = y3r[:, 0, :]
    for k in range(1, K):
        m = jnp.maximum(m, y3r[:, k, :])
    o_ref[0] = m


def _final_max(x, w_t, a, c, bias, a3, c3):
    cin, cout = w_t.shape
    return pl.pallas_call(
        _final_body,
        grid=(B, NT),
        in_specs=[
            pl.BlockSpec((1, RT, cin), lambda b, t: (b, t, 0)),
            pl.BlockSpec((cin, cout), lambda b, t: (0, 0)),
            pl.BlockSpec((8, cin), lambda b, t: (0, 0)),
            pl.BlockSpec((8, cin), lambda b, t: (0, 0)),
            pl.BlockSpec((8, cout), lambda b, t: (0, 0)),
            pl.BlockSpec((8, cout), lambda b, t: (0, 0)),
            pl.BlockSpec((8, cout), lambda b, t: (0, 0)),
        ],
        out_specs=pl.BlockSpec((1, RT // K, cout), lambda b, t: (b, t, 0)),
        out_shape=jax.ShapeDtypeStruct((B, S, cout), f32),
    )(x, w_t, a, c, bias, a3, c3)


def _bn_coeffs(st, gamma, beta):
    mu = st[0] / NTOT
    var = st[1] / NTOT - mu * mu
    a = gamma * lax.rsqrt(var + 1e-5)
    c = beta - mu * a
    return jnp.broadcast_to(a, (8, a.shape[0])), jnp.broadcast_to(c, (8, c.shape[0]))



def kernel(xyz, points, W0, b0, gamma0, beta0, W1, b1, gamma1, beta1,
           W2, b2, gamma2, beta2):
    far0 = jax.random.randint(jax.random.key(42), (B,), 0, N).astype(i32)
    far0 = jnp.broadcast_to(far0[:, None], (B, 128))

    xyz_t = jnp.transpose(xyz, (2, 0, 1))
    nx = _fps(xyz_t, far0)
    new_xyz = jnp.transpose(nx, (1, 0, 2))

    xyzt = jnp.transpose(xyz, (0, 2, 1)).reshape(B * 3 * N)
    xyzbt = _rn_bf16(xyzt)
    cents = jnp.concatenate([new_xyz, jnp.zeros((B, S, 1), f32)],
                            axis=2).reshape(B * S * 4)
    centsb = _rn_bf16(cents)

    gn, gf = _ball_group(xyzt, xyzbt, cents, centsb, points.reshape(B * N, D))
    gn = gn.reshape(B, S * K, 4)
    gf = gf.reshape(B, S * K, D)

    wn_t = jnp.concatenate([W0[:, :3], jnp.zeros((W0.shape[0], 1), f32)], axis=1).T
    wf_t = W0[:, 3:].T
    bias0 = jnp.broadcast_to(b0, (8, b0.shape[0]))
    z1, st1 = _layer1(gn, gf, wn_t, wf_t, bias0)

    a1, c1 = _bn_coeffs(st1, gamma0, beta0)
    bias1 = jnp.broadcast_to(b1, (8, b1.shape[0]))
    z2, st2 = _layer(z1, W1.T, a1, c1, bias1)

    a2, c2 = _bn_coeffs(st2, gamma1, beta1)
    bias2 = jnp.broadcast_to(b2, (8, b2.shape[0]))
    st3 = _layer3_stats(z2, W2.T, a2, c2, bias2)

    a3, c3 = _bn_coeffs(st3, gamma2, beta2)
    out = _final_max(z2, W2.T, a2, c2, bias2, a3, c3)
    new_points_out = jnp.transpose(out, (0, 2, 1))
    return new_xyz, new_points_out

# --- scband reference (transcript-rebuilt; emitter-appended) ---
"""Pipeline reference for scband-point-net-set-abstraction-36197984371436 (READ-ONLY COPY).

The authoritative reference and input builder live on the scoring server;
editing this copy changes nothing except your own understanding.
"""

import jax, jax.numpy as jnp
import numpy as np

NPOINT = 512
NSAMPLE = 32
RADIUS = 0.2
MLP = [64, 64, 128]
IN_CH = 67


def square_distance(src, dst):
    dist = -2.0 * jnp.matmul(src, jnp.swapaxes(dst, 1, 2))
    dist = dist + jnp.sum(src ** 2, -1)[:, :, None]
    dist = dist + jnp.sum(dst ** 2, -1)[:, None, :]
    return dist


def farthest_point_sample(xyz, npoint):
    B, N, _ = xyz.shape
    farthest0 = jax.random.randint(jax.random.key(42), (B,), 0, N)
    centroids0 = jnp.zeros((B, npoint), dtype=jnp.int32)
    prev0 = jnp.full((B, N), 1e10, dtype=jnp.float32)

    def body(i, carry):
        centroids, prev, far = carry
        centroids = centroids.at[:, i].set(far.astype(jnp.int32))
        centroid = xyz[jnp.arange(B), far, :][:, None, :]
        cur = jnp.sum((xyz - centroid) ** 2, -1)
        prev = jnp.minimum(prev, cur)
        far = jnp.argmax(prev, -1)
        return (centroids, prev, far)

    centroids, _, _ = jax.lax.fori_loop(0, npoint, body, (centroids0, prev0, farthest0))
    return centroids


def index_points(points, idx):
    B = points.shape[0]
    bshape = (B,) + (1,) * (idx.ndim - 1)
    bidx = jnp.broadcast_to(jnp.arange(B).reshape(bshape), idx.shape)
    return points[bidx, idx]


def query_ball_point(radius, nsample, xyz, new_xyz):
    B, N, _ = xyz.shape
    S = new_xyz.shape[1]
    sqrdists = square_distance(new_xyz, xyz)
    grp = jnp.broadcast_to(jnp.arange(N, dtype=jnp.int32), (B, S, N))
    grp = jnp.where(sqrdists > radius ** 2, N, grp)
    grp = jnp.sort(grp, axis=-1)[:, :, :nsample]
    first = jnp.broadcast_to(grp[:, :, :1], grp.shape)
    grp = jnp.where(grp == N, first, grp)
    return grp


def normalize_patch(grouped_xyz):
    patch_mean = jnp.mean(grouped_xyz, axis=2, keepdims=True)
    shifted = grouped_xyz - patch_mean
    point_norm = jnp.linalg.norm(shifted, axis=3, keepdims=True)
    patch_norm = jnp.max(point_norm, axis=2, keepdims=True)
    return shifted / patch_norm, patch_mean, patch_norm


def setup_inputs(seed: int = 0):
    key = jax.random.key(seed)
    ks = jax.random.split(key, 8)
    B, N, D = 8, 4096, 64
    inp = {
        "xyz": jax.random.uniform(ks[0], (B, N, 3), dtype=jnp.float32),
        "points": jax.random.normal(ks[1], (B, N, D), dtype=jnp.float32),
    }
    last = IN_CH
    for i, oc in enumerate(MLP):
        inp[f"W{i}"] = jax.random.normal(ks[2 + i], (oc, last), dtype=jnp.float32) * 0.05
        inp[f"b{i}"] = jnp.zeros((oc,), dtype=jnp.float32)
        inp[f"gamma{i}"] = jnp.ones((oc,), dtype=jnp.float32)
        inp[f"beta{i}"] = jnp.zeros((oc,), dtype=jnp.float32)
        last = oc
    return inp


def reference(xyz, points, W0, b0, gamma0, beta0, W1, b1, gamma1, beta1, W2, b2, gamma2, beta2):
    fps_idx = farthest_point_sample(xyz, NPOINT)
    new_xyz = index_points(xyz, fps_idx)
    idx = query_ball_point(RADIUS, NSAMPLE, xyz, new_xyz)
    grouped_xyz = index_points(xyz, idx)
    gnorm, _, _ = normalize_patch(grouped_xyz)
    gpoints = index_points(points, idx)
    new_points = jnp.concatenate([gnorm, gpoints], axis=-1)
    x = jnp.transpose(new_points, (0, 3, 2, 1))
    for W, b, g, bt in [(W0, b0, gamma0, beta0), (W1, b1, gamma1, beta1), (W2, b2, gamma2, beta2)]:
        x = jnp.einsum('oi,bikm->bokm', W, x) + b[None, :, None, None]
        mu = jnp.mean(x, axis=(0, 2, 3), keepdims=True)
        var = jnp.var(x, axis=(0, 2, 3), keepdims=True)
        x = (x - mu) / jnp.sqrt(var + 1e-5)
        x = g[None, :, None, None] * x + bt[None, :, None, None]
        x = jax.nn.relu(x)
    new_points_out = jnp.max(x, axis=2)
    return new_xyz, new_points_out

if __name__ == "__main__":
    import jax
    _d = setup_inputs()
    print(jax.jit(kernel)(*tuple(_d.values())))

</pallas_src>

<mosaic_0001>
#map = affine_map<(d0, d1) -> (0)>
#map1 = affine_map<(d0, d1) -> (0, 0)>
module attributes {stable_mosaic.version = 14 : i64} {
  func.func @_sc_body(%arg0: i32, %arg1: i32, %arg2: memref<98304xf32, #tpu.memory_space<hbm>>, %arg3: memref<98304xf32, #tpu.memory_space<hbm>>, %arg4: memref<16384xf32, #tpu.memory_space<hbm>>, %arg5: memref<16384xf32, #tpu.memory_space<hbm>>, %arg6: memref<32768x64xf32, #tpu.memory_space<hbm>>, %arg7: memref<131072x4xf32, #tpu.memory_space<hbm>>, %arg8: memref<131072x64xf32, #tpu.memory_space<hbm>>, %arg9: memref<4096xf32, #tpu.memory_space<vmem>>, %arg10: memref<4096xf32, #tpu.memory_space<vmem>>, %arg11: memref<4096xf32, #tpu.memory_space<vmem>>, %arg12: memref<4096xf32, #tpu.memory_space<vmem>>, %arg13: memref<4096xf32, #tpu.memory_space<vmem>>, %arg14: memref<4096xf32, #tpu.memory_space<vmem>>, %arg15: memref<4096xf32, #tpu.memory_space<vmem>>, %arg16: memref<512xf32, #tpu.memory_space<vmem>>, %arg17: memref<512xf32, #tpu.memory_space<vmem>>, %arg18: memref<4096xi32, #tpu.memory_space<vmem>>, %arg19: memref<4096xi32, #tpu.memory_space<vmem>>, %arg20: memref<4096x4xf32, #tpu.memory_space<vmem>>, %arg21: memref<128x64xf32, #tpu.memory_space<vmem>>, %arg22: memref<128x64xf32, #tpu.memory_space<vmem>>, %arg23: memref<!tpu.dma_semaphore, #tpu.memory_space<semaphore_mem>>, %arg24: memref<!tpu.dma_semaphore, #tpu.memory_space<semaphore_mem>>) attributes {dimension_semantics = [#tpu.dimension_semantics<core_parallel>, #tpu.dimension_semantics<subcore_parallel>], iteration_bounds = array<i64: 2, 16>, scalar_prefetch = 0 : i64, scratch_operands = 16 : i64, tpu.core_type = #tpu.core_type<sc_vector_subcore>, window_params = [{transform_indices = #map}, {transform_indices = #map}, {transform_indices = #map}, {transform_indices = #map}, {transform_indices = #map1}, {transform_indices = #map1}, {transform_indices = #map1}]} {
    %mul3A = arith.constant 2 : i32
    %mul3A_0 = arith.muli %arg1, %mul3A : i32
    %add3A = arith.addi %mul3A_0, %arg0 : i32
    %jit3A = arith.constant 4 : i32
    %div3A = arith.divsi %add3A, %jit3A : i32
    %sign3A = arith.constant 0 : i32
    %sign3A_1 = arith.cmpi sgt, %add3A, %sign3A : i32
    %sign3A_2 = arith.extui %sign3A_1 : i1 to i32
    %sign3A_3 = arith.constant 0 : i32
    %sign3A_4 = arith.cmpi slt, %add3A, %sign3A_3 : i32
    %sign3A_5 = arith.extui %sign3A_4 : i1 to i32
    %sign3A_6 = arith.subi %sign3A_2, %sign3A_5 : i32
    %sign3A_7 = arith.constant 0 : i32
    %sign3A_8 = arith.cmpi sgt, %jit3A, %sign3A_7 : i32
    %sign3A_9 = arith.extui %sign3A_8 : i1 to i32
    %sign3A_10 = arith.constant 0 : i32
    %sign3A_11 = arith.cmpi slt, %jit3A, %sign3A_10 : i32
    %sign3A_12 = arith.extui %sign3A_11 : i1 to i32
    %sign3A_13 = arith.subi %sign3A_9, %sign3A_12 : i32
    %ne3A = arith.cmpi ne, %sign3A_6, %sign3A_13 : i32
    %rem3A = arith.remsi %add3A, %jit3A : i32
    %ne3A_14 = arith.constant 0 : i32
    %ne3A_15 = arith.cmpi ne, %rem3A, %ne3A_14 : i32
    %and3A = arith.andi %ne3A, %ne3A_15 : i1
    %sub3A = arith.constant 1 : i32
    %sub3A_16 = arith.subi %div3A, %sub3A : i32
    %select_n3A = arith.select %and3A, %sub3A_16, %div3A : i32
    %jit3A_17 = arith.constant 4 : i32
    %eq3A = arith.constant 0 : i32
    %eq3A_18 = arith.cmpi eq, %jit3A_17, %eq3A : i32
    %jit3A_19 = arith.constant 1 : i32
    %select_n3A_20 = arith.select %eq3A_18, %jit3A_19, %jit3A_17 : i32
    %rem3A_21 = arith.remsi %add3A, %select_n3A_20 : i32
    %ne3A_22 = arith.constant 0 : i32
    %ne3A_23 = arith.cmpi ne, %rem3A_21, %ne3A_22 : i32
    %lt3A = arith.constant 0 : i32
    %lt3A_24 = arith.cmpi slt, %rem3A_21, %lt3A : i32
    %lt3A_25 = arith.constant 0 : i32
    %lt3A_26 = arith.cmpi slt, %select_n3A_20, %lt3A_25 : i32
    %ne3A_27 = arith.xori %lt3A_24, %lt3A_26 : i1
    %and3A_28 = arith.andi %ne3A_27, %ne3A_23 : i1
    %add3A_29 = arith.addi %rem3A_21, %select_n3A_20 : i32
    %select_n3A_30 = arith.select %and3A_28, %add3A_29, %rem3A_21 : i32
    %iota3A = tpu.iota {dimensions = array<i32: 0>} : vector<16xi32>
    %mul3A_31 = arith.constant 3 : i32
    %mul3A_32 = arith.muli %select_n3A, %mul3A_31 : i32
    %add3A_33 = arith.constant 0 : i32
    %add3A_34 = arith.addi %mul3A_32, %add3A_33 : i32
    %mul3A_35 = arith.constant 4096 : i32
    %mul3A_36 = arith.muli %add3A_34, %mul3A_35 : i32
    "tpu.region"() ({
      %run_scoped3A = tpu.sem_alloc : memref<!tpu.dma_semaphore, #tpu.memory_space<semaphore_mem>>
      %dma_start3A_120 = tpu.memref_slice %arg2[%mul3A_36] : memref<98304xf32, #tpu.memory_space<hbm>> -> memref<4096xf32, #tpu.memory_space<hbm>>
      %dma_start3A_121 = tpu.memref_slice %arg2[%mul3A_36] : memref<98304xf32, #tpu.memory_space<hbm>> -> memref<4096xf32, #tpu.memory_space<hbm>>
      tpu.enqueue_dma source(%dma_start3A_121 : memref<4096xf32, #tpu.memory_space<hbm>>) target(%arg9 : memref<4096xf32, #tpu.memory_space<vmem>>) target_semaphore(%run_scoped3A : memref<!tpu.dma_semaphore, #tpu.memory_space<semaphore_mem>>)
      %dma_wait3A = tpu.memref_slice %arg2[%mul3A_36] : memref<98304xf32, #tpu.memory_space<hbm>> -> memref<4096xf32, #tpu.memory_space<hbm>>
      %dma_wait3A_122 = tpu.memref_slice %arg2[%mul3A_36] : memref<98304xf32, #tpu.memory_space<hbm>> -> memref<4096xf32, #tpu.memory_space<hbm>>
      tpu.wait_dma2 semaphore(%run_scoped3A : memref<!tpu.dma_semaphore, #tpu.memory_space<semaphore_mem>>) src(%dma_wait3A_122 : memref<4096xf32, #tpu.memory_space<hbm>>) dst(%arg9 : memref<4096xf32, #tpu.memory_space<vmem>>)
      tpu.yield
    }) : () -> ()
    %mul3A_37 = arith.constant 3 : i32
    %mul3A_38 = arith.muli %select_n3A, %mul3A_37 : i32
    %add3A_39 = arith.constant 1 : i32
    %add3A_40 = arith.addi %mul3A_38, %add3A_39 : i32
    %mul3A_41 = arith.constant 4096 : i32
    %mul3A_42 = arith.muli %add3A_40, %mul3A_41 : i32
    "tpu.region"() ({
      %run_scoped3A = tpu.sem_alloc : memref<!tpu.dma_semaphore, #tpu.memory_space<semaphore_mem>>
      %dma_start3A_120 = tpu.memref_slice %arg2[%mul3A_42] : memref<98304xf32, #tpu.memory_space<hbm>> -> memref<4096xf32, #tpu.memory_space<hbm>>
      %dma_start3A_121 = tpu.memref_slice %arg2[%mul3A_42] : memref<98304xf32, #tpu.memory_space<hbm>> -> memref<4096xf32, #tpu.memory_space<hbm>>
      tpu.enqueue_dma source(%dma_start3A_121 : memref<4096xf32, #tpu.memory_space<hbm>>) target(%arg10 : memref<4096xf32, #tpu.memory_space<vmem>>) target_semaphore(%run_scoped3A : memref<!tpu.dma_semaphore, #tpu.memory_space<semaphore_mem>>)
      %dma_wait3A = tpu.memref_slice %arg2[%mul3A_42] : memref<98304xf32, #tpu.memory_space<hbm>> -> memref<4096xf32, #tpu.memory_space<hbm>>
      %dma_wait3A_122 = tpu.memref_slice %arg2[%mul3A_42] : memref<98304xf32, #tpu.memory_space<hbm>> -> memref<4096xf32, #tpu.memory_space<hbm>>
      tpu.wait_dma2 semaphore(%run_scoped3A : memref<!tpu.dma_semaphore, #tpu.memory_space<semaphore_mem>>) src(%dma_wait3A_122 : memref<4096xf32, #tpu.memory_space<hbm>>) dst(%arg10 : memref<4096xf32, #tpu.memory_space<vmem>>)
      tpu.yield
    }) : () -> ()
    %mul3A_43 = arith.constant 3 : i32
    %mul3A_44 = arith.muli %select_n3A, %mul3A_43 : i32
    %add3A_45 = arith.constant 2 : i32
    %add3A_46 = arith.addi %mul3A_44, %add3A_45 : i32
    %mul3A_47 = arith.constant 4096 : i32
    %mul3A_48 = arith.muli %add3A_46, %mul3A_47 : i32
    "tpu.region"() ({
      %run_scoped3A = tpu.sem_alloc : memref<!tpu.dma_semaphore, #tpu.memory_space<semaphore_mem>>
      %dma_start3A_120 = tpu.memref_slice %arg2[%mul3A_48] : memref<98304xf32, #tpu.memory_space<hbm>> -> memref<4096xf32, #tpu.memory_space<hbm>>
      %dma_start3A_121 = tpu.memref_slice %arg2[%mul3A_48] : memref<98304xf32, #tpu.memory_space<hbm>> -> memref<4096xf32, #tpu.memory_space<hbm>>
      tpu.enqueue_dma source(%dma_start3A_121 : memref<4096xf32, #tpu.memory_space<hbm>>) target(%arg11 : memref<4096xf32, #tpu.memory_space<vmem>>) target_semaphore(%run_scoped3A : memref<!tpu.dma_semaphore, #tpu.memory_space<semaphore_mem>>)
      %dma_wait3A = tpu.memref_slice %arg2[%mul3A_48] : memref<98304xf32, #tpu.memory_space<hbm>> -> memref<4096xf32, #tpu.memory_space<hbm>>
      %dma_wait3A_122 = tpu.memref_slice %arg2[%mul3A_48] : memref<98304xf32, #tpu.memory_space<hbm>> -> memref<4096xf32, #tpu.memory_space<hbm>>
      tpu.wait_dma2 semaphore(%run_scoped3A : memref<!tpu.dma_semaphore, #tpu.memory_space<semaphore_mem>>) src(%dma_wait3A_122 : memref<4096xf32, #tpu.memory_space<hbm>>) dst(%arg11 : memref<4096xf32, #tpu.memory_space<vmem>>)
      tpu.yield
    }) : () -> ()
    %mul3A_49 = arith.constant 3 : i32
    %mul3A_50 = arith.muli %select_n3A, %mul3A_49 : i32
    %add3A_51 = arith.constant 0 : i32
    %add3A_52 = arith.addi %mul3A_50, %add3A_51 : i32
    %mul3A_53 = arith.constant 4096 : i32
    %mul3A_54 = arith.muli %add3A_52, %mul3A_53 : i32
    "tpu.region"() ({
      %run_scoped3A = tpu.sem_alloc : memref<!tpu.dma_semaphore, #tpu.memory_space<semaphore_mem>>
      %dma_start3A_120 = tpu.memref_slice %arg3[%mul3A_54] : memref<98304xf32, #tpu.memory_space<hbm>> -> memref<4096xf32, #tpu.memory_space<hbm>>
      %dma_start3A_121 = tpu.memref_slice %arg3[%mul3A_54] : memref<98304xf32, #tpu.memory_space<hbm>> -> memref<4096xf32, #tpu.memory_space<hbm>>
      tpu.enqueue_dma source(%dma_start3A_121 : memref<4096xf32, #tpu.memory_space<hbm>>) target(%arg12 : memref<4096xf32, #tpu.memory_space<vmem>>) target_semaphore(%run_scoped3A : memref<!tpu.dma_semaphore, #tpu.memory_space<semaphore_mem>>)
      %dma_wait3A = tpu.memref_slice %arg3[%mul3A_54] : memref<98304xf32, #tpu.memory_space<hbm>> -> memref<4096xf32, #tpu.memory_space<hbm>>
      %dma_wait3A_122 = tpu.memref_slice %arg3[%mul3A_54] : memref<98304xf32, #tpu.memory_space<hbm>> -> memref<4096xf32, #tpu.memory_space<hbm>>
      tpu.wait_dma2 semaphore(%run_scoped3A : memref<!tpu.dma_semaphore, #tpu.memory_space<semaphore_mem>>) src(%dma_wait3A_122 : memref<4096xf32, #tpu.memory_space<hbm>>) dst(%arg12 : memref<4096xf32, #tpu.memory_space<vmem>>)
      tpu.yield
    }) : () -> ()
    %mul3A_55 = arith.constant 3 : i32
    %mul3A_56 = arith.muli %select_n3A, %mul3A_55 : i32
    %add3A_57 = arith.constant 1 : i32
    %add3A_58 = arith.addi %mul3A_56, %add3A_57 : i32
    %mul3A_59 = arith.constant 4096 : i32
    %mul3A_60 = arith.muli %add3A_58, %mul3A_59 : i32
    "tpu.region"() ({
      %run_scoped3A = tpu.sem_alloc : memref<!tpu.dma_semaphore, #tpu.memory_space<semaphore_mem>>
      %dma_start3A_120 = tpu.memref_slice %arg3[%mul3A_60] : memref<98304xf32, #tpu.memory_space<hbm>> -> memref<4096xf32, #tpu.memory_space<hbm>>
      %dma_start3A_121 = tpu.memref_slice %arg3[%mul3A_60] : memref<98304xf32, #tpu.memory_space<hbm>> -> memref<4096xf32, #tpu.memory_space<hbm>>
      tpu.enqueue_dma source(%dma_start3A_121 : memref<4096xf32, #tpu.memory_space<hbm>>) target(%arg13 : memref<4096xf32, #tpu.memory_space<vmem>>) target_semaphore(%run_scoped3A : memref<!tpu.dma_semaphore, #tpu.memory_space<semaphore_mem>>)
      %dma_wait3A = tpu.memref_slice %arg3[%mul3A_60] : memref<98304xf32, #tpu.memory_space<hbm>> -> memref<4096xf32, #tpu.memory_space<hbm>>
      %dma_wait3A_122 = tpu.memref_slice %arg3[%mul3A_60] : memref<98304xf32, #tpu.memory_space<hbm>> -> memref<4096xf32, #tpu.memory_space<hbm>>
      tpu.wait_dma2 semaphore(%run_scoped3A : memref<!tpu.dma_semaphore, #tpu.memory_space<semaphore_mem>>) src(%dma_wait3A_122 : memref<4096xf32, #tpu.memory_space<hbm>>) dst(%arg13 : memref<4096xf32, #tpu.memory_space<vmem>>)
      tpu.yield
    }) : () -> ()
    %mul3A_61 = arith.constant 3 : i32
    %mul3A_62 = arith.muli %select_n3A, %mul3A_61 : i32
    %add3A_63 = arith.constant 2 : i32
    %add3A_64 = arith.addi %mul3A_62, %add3A_63 : i32
    %mul3A_65 = arith.constant 4096 : i32
    %mul3A_66 = arith.muli %add3A_64, %mul3A_65 : i32
    "tpu.region"() ({
      %run_scoped3A = tpu.sem_alloc : memref<!tpu.dma_semaphore, #tpu.memory_space<semaphore_mem>>
      %dma_start3A_120 = tpu.memref_slice %arg3[%mul3A_66] : memref<98304xf32, #tpu.memory_space<hbm>> -> memref<4096xf32, #tpu.memory_space<hbm>>
      %dma_start3A_121 = tpu.memref_slice %arg3[%mul3A_66] : memref<98304xf32, #tpu.memory_space<hbm>> -> memref<4096xf32, #tpu.memory_space<hbm>>
      tpu.enqueue_dma source(%dma_start3A_121 : memref<4096xf32, #tpu.memory_space<hbm>>) target(%arg14 : memref<4096xf32, #tpu.memory_space<vmem>>) target_semaphore(%run_scoped3A : memref<!tpu.dma_semaphore, #tpu.memory_space<semaphore_mem>>)
      %dma_wait3A = tpu.memref_slice %arg3[%mul3A_66] : memref<98304xf32, #tpu.memory_space<hbm>> -> memref<4096xf32, #tpu.memory_space<hbm>>
      %dma_wait3A_122 = tpu.memref_slice %arg3[%mul3A_66] : memref<98304xf32, #tpu.memory_space<hbm>> -> memref<4096xf32, #tpu.memory_space<hbm>>
      tpu.wait_dma2 semaphore(%run_scoped3A : memref<!tpu.dma_semaphore, #tpu.memory_space<semaphore_mem>>) src(%dma_wait3A_122 : memref<4096xf32, #tpu.memory_space<hbm>>) dst(%arg14 : memref<4096xf32, #tpu.memory_space<vmem>>)
      tpu.yield
    }) : () -> ()
    %mul3A_67 = arith.constant 512 : i32
    %mul3A_68 = arith.muli %select_n3A, %mul3A_67 : i32
    %mul3A_69 = arith.constant 128 : i32
    %mul3A_70 = arith.muli %select_n3A_30, %mul3A_69 : i32
    %add3A_71 = arith.addi %mul3A_68, %mul3A_70 : i32
    %mul3A_72 = arith.constant 4 : i32
    %mul3A_73 = arith.muli %add3A_71, %mul3A_72 : i32
    "tpu.region"() ({
      %run_scoped3A = tpu.sem_alloc : memref<!tpu.dma_semaphore, #tpu.memory_space<semaphore_mem>>
      %dma_start3A_120 = tpu.memref_slice %arg4[%mul3A_73] : memref<16384xf32, #tpu.memory_space<hbm>> -> memref<512xf32, #tpu.memory_space<hbm>>
      %dma_start3A_121 = tpu.memref_slice %arg4[%mul3A_73] : memref<16384xf32, #tpu.memory_space<hbm>> -> memref<512xf32, #tpu.memory_space<hbm>>
      tpu.enqueue_dma source(%dma_start3A_121 : memref<512xf32, #tpu.memory_space<hbm>>) target(%arg16 : memref<512xf32, #tpu.memory_space<vmem>>) target_semaphore(%run_scoped3A : memref<!tpu.dma_semaphore, #tpu.memory_space<semaphore_mem>>)
      %dma_wait3A = tpu.memref_slice %arg4[%mul3A_73] : memref<16384xf32, #tpu.memory_space<hbm>> -> memref<512xf32, #tpu.memory_space<hbm>>
      %dma_wait3A_122 = tpu.memref_slice %arg4[%mul3A_73] : memref<16384xf32, #tpu.memory_space<hbm>> -> memref<512xf32, #tpu.memory_space<hbm>>
      tpu.wait_dma2 semaphore(%run_scoped3A : memref<!tpu.dma_semaphore, #tpu.memory_space<semaphore_mem>>) src(%dma_wait3A_122 : memref<512xf32, #tpu.memory_space<hbm>>) dst(%arg16 : memref<512xf32, #tpu.memory_space<vmem>>)
      tpu.yield
    }) : () -> ()
    %mul3A_74 = arith.constant 512 : i32
    %mul3A_75 = arith.muli %select_n3A, %mul3A_74 : i32
    %mul3A_76 = arith.constant 128 : i32
    %mul3A_77 = arith.muli %select_n3A_30, %mul3A_76 : i32
    %add3A_78 = arith.addi %mul3A_75, %mul3A_77 : i32
    %mul3A_79 = arith.constant 4 : i32
    %mul3A_80 = arith.muli %add3A_78, %mul3A_79 : i32
    "tpu.region"() ({
      %run_scoped3A = tpu.sem_alloc : memref<!tpu.dma_semaphore, #tpu.memory_space<semaphore_mem>>
      %dma_start3A_120 = tpu.memref_slice %arg5[%mul3A_80] : memref<16384xf32, #tpu.memory_space<hbm>> -> memref<512xf32, #tpu.memory_space<hbm>>
      %dma_start3A_121 = tpu.memref_slice %arg5[%mul3A_80] : memref<16384xf32, #tpu.memory_space<hbm>> -> memref<512xf32, #tpu.memory_space<hbm>>
      tpu.enqueue_dma source(%dma_start3A_121 : memref<512xf32, #tpu.memory_space<hbm>>) target(%arg17 : memref<512xf32, #tpu.memory_space<vmem>>) target_semaphore(%run_scoped3A : memref<!tpu.dma_semaphore, #tpu.memory_space<semaphore_mem>>)
      %dma_wait3A = tpu.memref_slice %arg5[%mul3A_80] : memref<16384xf32, #tpu.memory_space<hbm>> -> memref<512xf32, #tpu.memory_space<hbm>>
      %dma_wait3A_122 = tpu.memref_slice %arg5[%mul3A_80] : memref<16384xf32, #tpu.memory_space<hbm>> -> memref<512xf32, #tpu.memory_space<hbm>>
      tpu.wait_dma2 semaphore(%run_scoped3A : memref<!tpu.dma_semaphore, #tpu.memory_space<semaphore_mem>>) src(%dma_wait3A_122 : memref<512xf32, #tpu.memory_space<hbm>>) dst(%arg17 : memref<512xf32, #tpu.memory_space<vmem>>)
      tpu.yield
    }) : () -> ()
    %scan3A = arith.constant 0 : i32
    %scan3A_81 = arith.constant 0 : i32
    %scan3A_82 = arith.constant 256 : i32
    %scan3A_83 = arith.addi %scan3A_81, %scan3A_82 : i32
    %scan3A_84 = arith.constant 1 : i32
    %scan3A_85 = scf.for %scan3A_120 = %scan3A_81 to %scan3A_83 step %scan3A_84 iter_args(%scan3A_121 = %scan3A) -> (i32)  : i32 {
      %mul3A_122 = arith.constant 16 : i32
      %mul3A_123 = arith.muli %scan3A_120, %mul3A_122 : i32
      %get3A = arith.index_cast %mul3A_123 : i32 to index
      %get3A_124 = tpu.vector_load %arg9[%get3A] {strides = array<i32>} : memref<4096xf32, #tpu.memory_space<vmem>>, vector<16xf32>,
      %get3A_125 = arith.index_cast %mul3A_123 : i32 to index
      %get3A_126 = tpu.vector_load %arg10[%get3A_125] {strides = array<i32>} : memref<4096xf32, #tpu.memory_space<vmem>>, vector<16xf32>,
      %get3A_127 = arith.index_cast %mul3A_123 : i32 to index
      %get3A_128 = tpu.vector_load %arg11[%get3A_127] {strides = array<i32>} : memref<4096xf32, #tpu.memory_space<vmem>>, vector<16xf32>,
      %mul3A_129 = arith.mulf %get3A_124, %get3A_124 : vector<16xf32>
      %mul3A_130 = arith.mulf %get3A_126, %get3A_126 : vector<16xf32>
      %add3A_131 = arith.addf %mul3A_129, %mul3A_130 : vector<16xf32>
      %mul3A_132 = arith.mulf %get3A_128, %get3A_128 : vector<16xf32>
      %add3A_133 = arith.addf %add3A_131, %mul3A_132 : vector<16xf32>
      %swap3A = arith.index_cast %mul3A_123 : i32 to index
      %swap3A_134 = tpu.vector_load %arg15[%swap3A] {strides = array<i32>} : memref<4096xf32, #tpu.memory_space<vmem>>, vector<16xf32>,
      tpu.vector_store %arg15[%swap3A], %add3A_133 {strides = array<i32>} : memref<4096xf32, #tpu.memory_space<vmem>>, vector<16xf32>,
      %scan3A_135 = arith.constant 0 : i32
      scf.yield %scan3A_135 : i32
    }
    %scan3A_86 = arith.constant 256 : i32
    %scan3A_87 = arith.constant 0 : i32
    %scan3A_88 = arith.constant 0 : i32
    %scan3A_89 = arith.constant 128 : i32
    %scan3A_90 = arith.addi %scan3A_88, %scan3A_89 : i32
    %scan3A_91 = arith.constant 1 : i32
    %scan3A_92 = scf.for %scan3A_120 = %scan3A_88 to %scan3A_90 step %scan3A_91 iter_args(%scan3A_121 = %scan3A_87) -> (i32)  : i32 {
      %mul3A_122 = arith.constant 4 : i32
      %mul3A_123 = arith.muli %mul3A_122, %scan3A_120 : i32
      %broadcast_in_dim3A = vector.broadcast %mul3A_123 : i32 to vector<16xi32>
      %gather3A = tpu.vector_load_idx %arg17[%broadcast_in_dim3A] : memref<512xf32, #tpu.memory_space<vmem>>[vector<16xi32>], vector<16xf32>,
      %mul3A_124 = arith.constant -2.000000e+00 : f32
      %mul3A_125 = vector.broadcast %mul3A_124 : f32 to vector<16xf32>
      %mul3A_126 = arith.mulf %gather3A, %mul3A_125 : vector<16xf32>
      %add3A_127 = arith.constant 1 : i32
      %add3A_128 = vector.broadcast %add3A_127 : i32 to vector<16xi32>
      %add3A_129 = arith.addi %broadcast_in_dim3A, %add3A_128 : vector<16xi32>
      %gather3A_130 = tpu.vector_load_idx %arg17[%add3A_129] : memref<512xf32, #tpu.memory_space<vmem>>[vector<16xi32>], vector<16xf32>,
      %mul3A_131 = arith.constant -2.000000e+00 : f32
      %mul3A_132 = vector.broadcast %mul3A_131 : f32 to vector<16xf32>
      %mul3A_133 = arith.mulf %gather3A_130, %mul3A_132 : vector<16xf32>
      %add3A_134 = arith.constant 2 : i32
      %add3A_135 = vector.broadcast %add3A_134 : i32 to vector<16xi32>
      %add3A_136 = arith.addi %broadcast_in_dim3A, %add3A_135 : vector<16xi32>
      %gather3A_137 = tpu.vector_load_idx %arg17[%add3A_136] : memref<512xf32, #tpu.memory_space<vmem>>[vector<16xi32>], vector<16xf32>,
      %mul3A_138 = arith.constant -2.000000e+00 : f32
      %mul3A_139 = vector.broadcast %mul3A_138 : f32 to vector<16xf32>
      %mul3A_140 = arith.mulf %gather3A_137, %mul3A_139 : vector<16xf32>
      %gather3A_141 = tpu.vector_load_idx %arg16[%broadcast_in_dim3A] : memref<512xf32, #tpu.memory_space<vmem>>[vector<16xi32>], vector<16xf32>,
      %add3A_142 = arith.constant 1 : i32
      %add3A_143 = vector.broadcast %add3A_142 : i32 to vector<16xi32>
      %add3A_144 = arith.addi %broadcast_in_dim3A, %add3A_143 : vector<16xi32>
      %gather3A_145 = tpu.vector_load_idx %arg16[%add3A_144] : memref<512xf32, #tpu.memory_space<vmem>>[vector<16xi32>], vector<16xf32>,
      %add3A_146 = arith.constant 2 : i32
      %add3A_147 = vector.broadcast %add3A_146 : i32 to vector<16xi32>
      %add3A_148 = arith.addi %broadcast_in_dim3A, %add3A_147 : vector<16xi32>
      %gather3A_149 = tpu.vector_load_idx %arg16[%add3A_148] : memref<512xf32, #tpu.memory_space<vmem>>[vector<16xi32>], vector<16xf32>,
      %mul3A_150 = arith.mulf %gather3A_141, %gather3A_141 : vector<16xf32>
      %mul3A_151 = arith.mulf %gather3A_145, %gather3A_145 : vector<16xf32>
      %add3A_152 = arith.addf %mul3A_150, %mul3A_151 : vector<16xf32>
      %mul3A_153 = arith.mulf %gather3A_149, %gather3A_149 : vector<16xf32>
      %add3A_154 = arith.addf %add3A_152, %mul3A_153 : vector<16xf32>
      %broadcast_in_dim3A_155 = arith.constant 0 : i32
      %broadcast_in_dim3A_156 = vector.broadcast %broadcast_in_dim3A_155 : i32 to vector<16xi32>
      %while3A = arith.constant 0 : i32
      %while3A_157:2 = scf.while (%while3A_197 = %while3A, %while3A_198 = %broadcast_in_dim3A_156) : (i32, vector<16xi32>) -> (i32, vector<16xi32>) {
        %lt3A_199 = arith.constant 4096 : i32
        %lt3A_200 = arith.cmpi slt, %while3A_197, %lt3A_199 : i32
        %lt3A_201 = arith.constant 32 : i32
        %lt3A_202 = vector.broadcast %lt3A_201 : i32 to vector<16xi32>
        %lt3A_203 = arith.cmpi slt, %while3A_198, %lt3A_202 : vector<16xi32>
        %reduce_or3A = arith.constant 1.000000e+00 : f32
        %reduce_or3A_204 = arith.constant 0.000000e+00 : f32
        %reduce_or3A_205 = vector.broadcast %reduce_or3A : f32 to vector<16xf32>
        %reduce_or3A_206 = vector.broadcast %reduce_or3A_204 : f32 to vector<16xf32>
        %reduce_or3A_207 = arith.select %lt3A_203, %reduce_or3A_205, %reduce_or3A_206 : vector<16xi1>, vector<16xf32>
        %reduce_or3A_208 = arith.constant true
        %reduce_or3A_209 = vector.broadcast %reduce_or3A_208 : i1 to vector<16xi1>
        %reduce_or3A_210 = tpu.scan <max>, %reduce_or3A_207 masked %reduce_or3A_209 : vector<16xf32>, vector<16xi1> -> vector<16xf32>
        %reduce_or3A_211 = vector.extract %reduce_or3A_210[15] : f32 from vector<16xf32>
        %reduce_or3A_212 = arith.constant 0.000000e+00 : f32
        %reduce_or3A_213 = arith.cmpf ogt, %reduce_or3A_211, %reduce_or3A_212 : f32
        %and3A_214 = arith.andi %lt3A_200, %reduce_or3A_213 : i1
        scf.condition(%and3A_214) %while3A_197, %while3A_198 : i32, vector<16xi32>
      } do {
      ^bb0(%while3A_197: i32, %while3A_198: vector<16xi32>):
        %add3A_199 = arith.constant 0 : i32
        %add3A_200 = arith.addi %while3A_197, %add3A_199 : i32
        %get3A_201 = arith.index_cast %add3A_200 : i32 to index
        %get3A_202 = tpu.vector_load %arg12[%get3A_201] {strides = array<i32>} : memref<4096xf32, #tpu.memory_space<vmem>>, vector<16xf32>,
        %get3A_203 = arith.index_cast %add3A_200 : i32 to index
        %get3A_204 = tpu.vector_load %arg13[%get3A_203] {strides = array<i32>} : memref<4096xf32, #tpu.memory_space<vmem>>, vector<16xf32>,
        %get3A_205 = arith.index_cast %add3A_200 : i32 to index
        %get3A_206 = tpu.vector_load %arg14[%get3A_205] {strides = array<i32>} : memref<4096xf32, #tpu.memory_space<vmem>>, vector<16xf32>,
        %mul3A_207 = arith.mulf %get3A_202, %mul3A_126 : vector<16xf32>
        %mul3A_208 = arith.mulf %get3A_204, %mul3A_133 : vector<16xf32>
        %add3A_209 = arith.addf %mul3A_207, %mul3A_208 : vector<16xf32>
        %mul3A_210 = arith.mulf %get3A_206, %mul3A_140 : vector<16xf32>
        %add3A_211 = arith.addf %add3A_209, %mul3A_210 : vector<16xf32>
        %add3A_212 = arith.addf %add3A_211, %add3A_154 : vector<16xf32>
        %get3A_213 = arith.index_cast %add3A_200 : i32 to index
        %get3A_214 = tpu.vector_load %arg15[%get3A_213] {strides = array<i32>} : memref<4096xf32, #tpu.memory_space<vmem>>, vector<16xf32>,
        %add3A_215 = arith.addf %add3A_212, %get3A_214 : vector<16xf32>
        %le3A = arith.constant 4.000000e-02 : f32
        %le3A_216 = vector.broadcast %le3A : f32 to vector<16xf32>
        %le3A_217 = arith.cmpf ole, %add3A_215, %le3A_216 : vector<16xf32>
        %add3A_218 = arith.constant 16 : i32
        %add3A_219 = arith.addi %while3A_197, %add3A_218 : i32
        %get3A_220 = arith.index_cast %add3A_219 : i32 to index
        %get3A_221 = tpu.vector_load %arg12[%get3A_220] {strides = array<i32>} : memref<4096xf32, #tpu.memory_space<vmem>>, vector<16xf32>,
        %get3A_222 = arith.index_cast %add3A_219 : i32 to index
        %get3A_223 = tpu.vector_load %arg13[%get3A_222] {strides = array<i32>} : memref<4096xf32, #tpu.memory_space<vmem>>, vector<16xf32>,
        %get3A_224 = arith.index_cast %add3A_219 : i32 to index
        %get3A_225 = tpu.vector_load %arg14[%get3A_224] {strides = array<i32>} : memref<4096xf32, #tpu.memory_space<vmem>>, vector<16xf32>,
        %mul3A_226 = arith.mulf %get3A_221, %mul3A_126 : vector<16xf32>
        %mul3A_227 = arith.mulf %get3A_223, %mul3A_133 : vector<16xf32>
        %add3A_228 = arith.addf %mul3A_226, %mul3A_227 : vector<16xf32>
        %mul3A_229 = arith.mulf %get3A_225, %mul3A_140 : vector<16xf32>
        %add3A_230 = arith.addf %add3A_228, %mul3A_229 : vector<16xf32>
        %add3A_231 = arith.addf %add3A_230, %add3A_154 : vector<16xf32>
        %get3A_232 = arith.index_cast %add3A_219 : i32 to index
        %get3A_233 = tpu.vector_load %arg15[%get3A_232] {strides = array<i32>} : memref<4096xf32, #tpu.memory_space<vmem>>, vector<16xf32>,
        %add3A_234 = arith.addf %add3A_231, %get3A_233 : vector<16xf32>
        %le3A_235 = arith.constant 4.000000e-02 : f32
        %le3A_236 = vector.broadcast %le3A_235 : f32 to vector<16xf32>
        %le3A_237 = arith.cmpf ole, %add3A_234, %le3A_236 : vector<16xf32>
        %add3A_238 = arith.constant 32 : i32
        %add3A_239 = arith.addi %while3A_197, %add3A_238 : i32
        %get3A_240 = arith.index_cast %add3A_239 : i32 to index
        %get3A_241 = tpu.vector_load %arg12[%get3A_240] {strides = array<i32>} : memref<4096xf32, #tpu.memory_space<vmem>>, vector<16xf32>,
        %get3A_242 = arith.index_cast %add3A_239 : i32 to index
        %get3A_243 = tpu.vector_load %arg13[%get3A_242] {strides = array<i32>} : memref<4096xf32, #tpu.memory_space<vmem>>, vector<16xf32>,
        %get3A_244 = arith.index_cast %add3A_239 : i32 to index
        %get3A_245 = tpu.vector_load %arg14[%get3A_244] {strides = array<i32>} : memref<4096xf32, #tpu.memory_space<vmem>>, vector<16xf32>,
        %mul3A_246 = arith.mulf %get3A_241, %mul3A_126 : vector<16xf32>
        %mul3A_247 = arith.mulf %get3A_243, %mul3A_133 : vector<16xf32>
        %add3A_248 = arith.addf %mul3A_246, %mul3A_247 : vector<16xf32>
        %mul3A_249 = arith.mulf %get3A_245, %mul3A_140 : vector<16xf32>
        %add3A_250 = arith.addf %add3A_248, %mul3A_249 : vector<16xf32>
        %add3A_251 = arith.addf %add3A_250, %add3A_154 : vector<16xf32>
        %get3A_252 = arith.index_cast %add3A_239 : i32 to index
        %get3A_253 = tpu.vector_load %arg15[%get3A_252] {strides = array<i32>} : memref<4096xf32, #tpu.memory_space<vmem>>, vector<16xf32>,
        %add3A_254 = arith.addf %add3A_251, %get3A_253 : vector<16xf32>
        %le3A_255 = arith.constant 4.000000e-02 : f32
        %le3A_256 = vector.broadcast %le3A_255 : f32 to vector<16xf32>
        %le3A_257 = arith.cmpf ole, %add3A_254, %le3A_256 : vector<16xf32>
        %add3A_258 = arith.constant 48 : i32
        %add3A_259 = arith.addi %while3A_197, %add3A_258 : i32
        %get3A_260 = arith.index_cast %add3A_259 : i32 to index
        %get3A_261 = tpu.vector_load %arg12[%get3A_260] {strides = array<i32>} : memref<4096xf32, #tpu.memory_space<vmem>>, vector<16xf32>,
        %get3A_262 = arith.index_cast %add3A_259 : i32 to index
        %get3A_263 = tpu.vector_load %arg13[%get3A_262] {strides = array<i32>} : memref<4096xf32, #tpu.memory_space<vmem>>, vector<16xf32>,
        %get3A_264 = arith.index_cast %add3A_259 : i32 to index
        %get3A_265 = tpu.vector_load %arg14[%get3A_264] {strides = array<i32>} : memref<4096xf32, #tpu.memory_space<vmem>>, vector<16xf32>,
        %mul3A_266 = arith.mulf %get3A_261, %mul3A_126 : vector<16xf32>
        %mul3A_267 = arith.mulf %get3A_263, %mul3A_133 : vector<16xf32>
        %add3A_268 = arith.addf %mul3A_266, %mul3A_267 : vector<16xf32>
        %mul3A_269 = arith.mulf %get3A_265, %mul3A_140 : vector<16xf32>
        %add3A_270 = arith.addf %add3A_268, %mul3A_269 : vector<16xf32>
        %add3A_271 = arith.addf %add3A_270, %add3A_154 : vector<16xf32>
        %get3A_272 = arith.index_cast %add3A_259 : i32 to index
        %get3A_273 = tpu.vector_load %arg15[%get3A_272] {strides = array<i32>} : memref<4096xf32, #tpu.memory_space<vmem>>, vector<16xf32>,
        %add3A_274 = arith.addf %add3A_271, %get3A_273 : vector<16xf32>
        %le3A_275 = arith.constant 4.000000e-02 : f32
        %le3A_276 = vector.broadcast %le3A_275 : f32 to vector<16xf32>
        %le3A_277 = arith.cmpf ole, %add3A_274, %le3A_276 : vector<16xf32>
        %or3A = arith.ori %le3A_217, %le3A_237 : vector<16xi1>
        %or3A_278 = arith.ori %or3A, %le3A_257 : vector<16xi1>
        %or3A_279 = arith.ori %or3A_278, %le3A_277 : vector<16xi1>
        %reduce_or3A = arith.constant 1.000000e+00 : f32
        %reduce_or3A_280 = arith.constant 0.000000e+00 : f32
        %reduce_or3A_281 = vector.broadcast %reduce_or3A : f32 to vector<16xf32>
        %reduce_or3A_282 = vector.broadcast %reduce_or3A_280 : f32 to vector<16xf32>
        %reduce_or3A_283 = arith.select %or3A_279, %reduce_or3A_281, %reduce_or3A_282 : vector<16xi1>, vector<16xf32>
        %reduce_or3A_284 = arith.constant true
        %reduce_or3A_285 = vector.broadcast %reduce_or3A_284 : i1 to vector<16xi1>
        %reduce_or3A_286 = tpu.scan <max>, %reduce_or3A_283 masked %reduce_or3A_285 : vector<16xf32>, vector<16xi1> -> vector<16xf32>
        %reduce_or3A_287 = vector.extract %reduce_or3A_286[15] : f32 from vector<16xf32>
        %reduce_or3A_288 = arith.constant 0.000000e+00 : f32
        %reduce_or3A_289 = arith.cmpf ogt, %reduce_or3A_287, %reduce_or3A_288 : f32
        %convert_element_type3A = arith.extui %reduce_or3A_289 : i1 to i32
        %cond3A = arith.constant 0 : i32
        %cond3A_290 = arith.cmpi ne, %convert_element_type3A, %cond3A : i32
        %cond3A_291 = scf.if %cond3A_290 -> (vector<16xi32>) {
          %convert_element_type3A_294 = arith.extui %le3A_217 : vector<16xi1> to vector<16xi32>
          %broadcast_in_dim3A_295 = arith.constant true
          %broadcast_in_dim3A_296 = vector.broadcast %broadcast_in_dim3A_295 : i1 to vector<16xi1>
          %masked_cumsum3A = tpu.scan <sum>, %convert_element_type3A_294 masked %broadcast_in_dim3A_296 : vector<16xi32>, vector<16xi1> -> vector<16xi32>
          %sub3A_297 = arith.constant 1 : i32
          %sub3A_298 = vector.broadcast %sub3A_297 : i32 to vector<16xi32>
          %sub3A_299 = arith.subi %while3A_198, %sub3A_298 : vector<16xi32>
          %add3A_300 = arith.addi %masked_cumsum3A, %sub3A_299 : vector<16xi32>
          %lt3A_301 = arith.constant 32 : i32
          %lt3A_302 = vector.broadcast %lt3A_301 : i32 to vector<16xi32>
          %lt3A_303 = arith.cmpi slt, %add3A_300, %lt3A_302 : vector<16xi32>
          %and3A_304 = arith.andi %le3A_217, %lt3A_303 : vector<16xi1>
          %mul3A_305 = arith.constant 32 : i32
          %mul3A_306 = arith.muli %mul3A_305, %scan3A_120 : i32
          %add3A_307 = vector.broadcast %mul3A_306 : i32 to vector<16xi32>
          %add3A_308 = arith.addi %add3A_300, %add3A_307 : vector<16xi32>
          %add3A_309 = arith.constant 0 : i32
          %add3A_310 = arith.addi %while3A_197, %add3A_309 : i32
          %add3A_311 = vector.broadcast %add3A_310 : i32 to vector<16xi32>
          %add3A_312 = arith.addi %add3A_311, %iota3A : vector<16xi32>
          tpu.vector_store_idx %arg18[%add3A_308], %add3A_312 masked %and3A_304 : memref<4096xi32, #tpu.memory_space<vmem>>[vector<16xi32>], vector<16xi32>, vector<16xi1>
          %all_reduce_population_count3A = tpu.all_reduce %le3A_217 {dim = 0 : i64, kind = #tpu.reduction_kind<sum>} : vector<16xi1> -> vector<16xi32>
          %add3A_313 = arith.addi %while3A_198, %all_reduce_population_count3A : vector<16xi32>
          %convert_element_type3A_314 = arith.extui %le3A_237 : vector<16xi1> to vector<16xi32>
          %broadcast_in_dim3A_315 = arith.constant true
          %broadcast_in_dim3A_316 = vector.broadcast %broadcast_in_dim3A_315 : i1 to vector<16xi1>
          %masked_cumsum3A_317 = tpu.scan <sum>, %convert_element_type3A_314 masked %broadcast_in_dim3A_316 : vector<16xi32>, vector<16xi1> -> vector<16xi32>
          %sub3A_318 = arith.constant 1 : i32
          %sub3A_319 = vector.broadcast %sub3A_318 : i32 to vector<16xi32>
          %sub3A_320 = arith.subi %add3A_313, %sub3A_319 : vector<16xi32>
          %add3A_321 = arith.addi %masked_cumsum3A_317, %sub3A_320 : vector<16xi32>
          %lt3A_322 = arith.constant 32 : i32
          %lt3A_323 = vector.broadcast %lt3A_322 : i32 to vector<16xi32>
          %lt3A_324 = arith.cmpi slt, %add3A_321, %lt3A_323 : vector<16xi32>
          %and3A_325 = arith.andi %le3A_237, %lt3A_324 : vector<16xi1>
          %mul3A_326 = arith.constant 32 : i32
          %mul3A_327 = arith.muli %mul3A_326, %scan3A_120 : i32
          %add3A_328 = vector.broadcast %mul3A_327 : i32 to vector<16xi32>
          %add3A_329 = arith.addi %add3A_321, %add3A_328 : vector<16xi32>
          %add3A_330 = arith.constant 16 : i32
          %add3A_331 = arith.addi %while3A_197, %add3A_330 : i32
          %add3A_332 = vector.broadcast %add3A_331 : i32 to vector<16xi32>
          %add3A_333 = arith.addi %add3A_332, %iota3A : vector<16xi32>
          tpu.vector_store_idx %arg18[%add3A_329], %add3A_333 masked %and3A_325 : memref<4096xi32, #tpu.memory_space<vmem>>[vector<16xi32>], vector<16xi32>, vector<16xi1>
          %all_reduce_population_count3A_334 = tpu.all_reduce %le3A_237 {dim = 0 : i64, kind = #tpu.reduction_kind<sum>} : vector<16xi1> -> vector<16xi32>
          %add3A_335 = arith.addi %add3A_313, %all_reduce_population_count3A_334 : vector<16xi32>
          %convert_element_type3A_336 = arith.extui %le3A_257 : vector<16xi1> to vector<16xi32>
          %broadcast_in_dim3A_337 = arith.constant true
          %broadcast_in_dim3A_338 = vector.broadcast %broadcast_in_dim3A_337 : i1 to vector<16xi1>
          %masked_cumsum3A_339 = tpu.scan <sum>, %convert_element_type3A_336 masked %broadcast_in_dim3A_338 : vector<16xi32>, vector<16xi1> -> vector<16xi32>
          %sub3A_340 = arith.constant 1 : i32
          %sub3A_341 = vector.broadcast %sub3A_340 : i32 to vector<16xi32>
          %sub3A_342 = arith.subi %add3A_335, %sub3A_341 : vector<16xi32>
          %add3A_343 = arith.addi %masked_cumsum3A_339, %sub3A_342 : vector<16xi32>
          %lt3A_344 = arith.constant 32 : i32
          %lt3A_345 = vector.broadcast %lt3A_344 : i32 to vector<16xi32>
          %lt3A_346 = arith.cmpi slt, %add3A_343, %lt3A_345 : vector<16xi32>
          %and3A_347 = arith.andi %le3A_257, %lt3A_346 : vector<16xi1>
          %mul3A_348 = arith.constant 32 : i32
          %mul3A_349 = arith.muli %mul3A_348, %scan3A_120 : i32
          %add3A_350 = vector.broadcast %mul3A_349 : i32 to vector<16xi32>
          %add3A_351 = arith.addi %add3A_343, %add3A_350 : vector<16xi32>
          %add3A_352 = arith.constant 32 : i32
          %add3A_353 = arith.addi %while3A_197, %add3A_352 : i32
          %add3A_354 = vector.broadcast %add3A_353 : i32 to vector<16xi32>
          %add3A_355 = arith.addi %add3A_354, %iota3A : vector<16xi32>
          tpu.vector_store_idx %arg18[%add3A_351], %add3A_355 masked %and3A_347 : memref<4096xi32, #tpu.memory_space<vmem>>[vector<16xi32>], vector<16xi32>, vector<16xi1>
          %all_reduce_population_count3A_356 = tpu.all_reduce %le3A_257 {dim = 0 : i64, kind = #tpu.reduction_kind<sum>} : vector<16xi1> -> vector<16xi32>
          %add3A_357 = arith.addi %add3A_335, %all_reduce_population_count3A_356 : vector<16xi32>
          %convert_element_type3A_358 = arith.extui %le3A_277 : vector<16xi1> to vector<16xi32>
          %broadcast_in_dim3A_359 = arith.constant true
          %broadcast_in_dim3A_360 = vector.broadcast %broadcast_in_dim3A_359 : i1 to vector<16xi1>
          %masked_cumsum3A_361 = tpu.scan <sum>, %convert_element_type3A_358 masked %broadcast_in_dim3A_360 : vector<16xi32>, vector<16xi1> -> vector<16xi32>
          %sub3A_362 = arith.constant 1 : i32
          %sub3A_363 = vector.broadcast %sub3A_362 : i32 to vector<16xi32>
          %sub3A_364 = arith.subi %add3A_357, %sub3A_363 : vector<16xi32>
          %add3A_365 = arith.addi %masked_cumsum3A_361, %sub3A_364 : vector<16xi32>
          %lt3A_366 = arith.constant 32 : i32
          %lt3A_367 = vector.broadcast %lt3A_366 : i32 to vector<16xi32>
          %lt3A_368 = arith.cmpi slt, %add3A_365, %lt3A_367 : vector<16xi32>
          %and3A_369 = arith.andi %le3A_277, %lt3A_368 : vector<16xi1>
          %mul3A_370 = arith.constant 32 : i32
          %mul3A_371 = arith.muli %mul3A_370, %scan3A_120 : i32
          %add3A_372 = vector.broadcast %mul3A_371 : i32 to vector<16xi32>
          %add3A_373 = arith.addi %add3A_365, %add3A_372 : vector<16xi32>
          %add3A_374 = arith.constant 48 : i32
          %add3A_375 = arith.addi %while3A_197, %add3A_374 : i32
          %add3A_376 = vector.broadcast %add3A_375 : i32 to vector<16xi32>
          %add3A_377 = arith.addi %add3A_376, %iota3A : vector<16xi32>
          tpu.vector_store_idx %arg18[%add3A_373], %add3A_377 masked %and3A_369 : memref<4096xi32, #tpu.memory_space<vmem>>[vector<16xi32>], vector<16xi32>, vector<16xi1>
          %all_reduce_population_count3A_378 = tpu.all_reduce %le3A_277 {dim = 0 : i64, kind = #tpu.reduction_kind<sum>} : vector<16xi1> -> vector<16xi32>
          %add3A_379 = arith.addi %add3A_357, %all_reduce_population_count3A_378 : vector<16xi32>
          scf.yield %add3A_379 : vector<16xi32>
        } else {
          scf.yield %while3A_198 : vector<16xi32>
        }
        %add3A_292 = arith.constant 64 : i32
        %add3A_293 = arith.addi %while3A_197, %add3A_292 : i32
        scf.yield %add3A_293, %cond3A_291 : i32, vector<16xi32>
      }
      %mul3A_158 = arith.constant 32 : i32
      %mul3A_159 = arith.muli %mul3A_158, %scan3A_120 : i32
      %broadcast_in_dim3A_160 = vector.broadcast %mul3A_159 : i32 to vector<16xi32>
      %gather3A_161 = tpu.vector_load_idx %arg18[%broadcast_in_dim3A_160] : memref<4096xi32, #tpu.memory_space<vmem>>[vector<16xi32>], vector<16xi32>,
      %mul3A_162 = arith.constant 4096 : i32
      %mul3A_163 = arith.muli %select_n3A, %mul3A_162 : i32
      %mul3A_164 = arith.constant 32 : i32
      %mul3A_165 = arith.muli %mul3A_164, %scan3A_120 : i32
      %add3A_166 = arith.constant 0 : i32
      %add3A_167 = arith.addi %mul3A_165, %add3A_166 : i32
      %get3A = arith.index_cast %add3A_167 : i32 to index
      %get3A_168 = tpu.vector_load %arg18[%get3A] {strides = array<i32>} : memref<4096xi32, #tpu.memory_space<vmem>>, vector<16xi32>,
      %add3A_169 = arith.constant 0 : i32
      %add3A_170 = vector.broadcast %add3A_169 : i32 to vector<16xi32>
      %add3A_171 = arith.addi %iota3A, %add3A_170 : vector<16xi32>
      %lt3A_172 = arith.cmpi slt, %add3A_171, %while3A_157#1 : vector<16xi32>
      %select_n3A_173 = arith.select %lt3A_172, %get3A_168, %gather3A_161 : vector<16xi1>, vector<16xi32>
      %swap3A = arith.index_cast %add3A_167 : i32 to index
      %swap3A_174 = tpu.vector_load %arg18[%swap3A] {strides = array<i32>} : memref<4096xi32, #tpu.memory_space<vmem>>, vector<16xi32>,
      tpu.vector_store %arg18[%swap3A], %select_n3A_173 {strides = array<i32>} : memref<4096xi32, #tpu.memory_space<vmem>>, vector<16xi32>,
      %add3A_175 = vector.broadcast %mul3A_163 : i32 to vector<16xi32>
      %add3A_176 = arith.addi %select_n3A_173, %add3A_175 : vector<16xi32>
      %swap3A_177 = arith.index_cast %add3A_167 : i32 to index
      %swap3A_178 = tpu.vector_load %arg19[%swap3A_177] {strides = array<i32>} : memref<4096xi32, #tpu.memory_space<vmem>>, vector<16xi32>,
      tpu.vector_store %arg19[%swap3A_177], %add3A_176 {strides = array<i32>} : memref<4096xi32, #tpu.memory_space<vmem>>, vector<16xi32>,
      %mul3A_179 = arith.constant 32 : i32
      %mul3A_180 = arith.muli %mul3A_179, %scan3A_120 : i32
      %add3A_181 = arith.constant 16 : i32
      %add3A_182 = arith.addi %mul3A_180, %add3A_181 : i32
      %get3A_183 = arith.index_cast %add3A_182 : i32 to index
      %get3A_184 = tpu.vector_load %arg18[%get3A_183] {strides = array<i32>} : memref<4096xi32, #tpu.memory_space<vmem>>, vector<16xi32>,
      %add3A_185 = arith.constant 16 : i32
      %add3A_186 = vector.broadcast %add3A_185 : i32 to vector<16xi32>
      %add3A_187 = arith.addi %iota3A, %add3A_186 : vector<16xi32>
      %lt3A_188 = arith.cmpi slt, %add3A_187, %while3A_157#1 : vector<16xi32>
      %select_n3A_189 = arith.select %lt3A_188, %get3A_184, %gather3A_161 : vector<16xi1>, vector<16xi32>
      %swap3A_190 = arith.index_cast %add3A_182 : i32 to index
      %swap3A_191 = tpu.vector_load %arg18[%swap3A_190] {strides = array<i32>} : memref<4096xi32, #tpu.memory_space<vmem>>, vector<16xi32>,
      tpu.vector_store %arg18[%swap3A_190], %select_n3A_189 {strides = array<i32>} : memref<4096xi32, #tpu.memory_space<vmem>>, vector<16xi32>,
      %add3A_192 = vector.broadcast %mul3A_163 : i32 to vector<16xi32>
      %add3A_193 = arith.addi %select_n3A_189, %add3A_192 : vector<16xi32>
      %swap3A_194 = arith.index_cast %add3A_182 : i32 to index
      %swap3A_195 = tpu.vector_load %arg19[%swap3A_194] {strides = array<i32>} : memref<4096xi32, #tpu.memory_space<vmem>>, vector<16xi32>,
      tpu.vector_store %arg19[%swap3A_194], %add3A_193 {strides = array<i32>} : memref<4096xi32, #tpu.memory_space<vmem>>, vector<16xi32>,
      %scan3A_196 = arith.constant 0 : i32
      scf.yield %scan3A_196 : i32
    }
    %scan3A_93 = arith.constant 128 : i32
    %scan3A_94 = arith.constant 1597463007 : i32
    %scan3A_95 = arith.constant 5.000000e-01 : f32
    %scan3A_96 = arith.constant 1.500000e+00 : f32
    %scan3A_97 = arith.constant 0 : i32
    %scan3A_98 = arith.constant 0 : i32
    %scan3A_99 = arith.constant 128 : i32
    %scan3A_100 = arith.addi %scan3A_98, %scan3A_99 : i32
    %scan3A_101 = arith.constant 1 : i32
    %scan3A_102 = scf.for %scan3A_120 = %scan3A_98 to %scan3A_100 step %scan3A_101 iter_args(%scan3A_121 = %scan3A_97) -> (i32)  : i32 {
      %mul3A_122 = arith.constant 32 : i32
      %mul3A_123 = arith.muli %mul3A_122, %scan3A_120 : i32
      %get3A = arith.index_cast %mul3A_123 : i32 to index
      %get3A_124 = tpu.vector_load %arg18[%get3A] {strides = array<i32>} : memref<4096xi32, #tpu.memory_space<vmem>>, vector<16xi32>,
      %mul3A_125 = arith.constant 32 : i32
      %mul3A_126 = arith.muli %mul3A_125, %scan3A_120 : i32
      %add3A_127 = arith.constant 16 : i32
      %add3A_128 = arith.addi %mul3A_126, %add3A_127 : i32
      %get3A_129 = arith.index_cast %add3A_128 : i32 to index
      %get3A_130 = tpu.vector_load %arg18[%get3A_129] {strides = array<i32>} : memref<4096xi32, #tpu.memory_space<vmem>>, vector<16xi32>,
      %gather3A = tpu.vector_load_idx %arg9[%get3A_124] : memref<4096xf32, #tpu.memory_space<vmem>>[vector<16xi32>], vector<16xf32>,
      %gather3A_131 = tpu.vector_load_idx %arg9[%get3A_130] : memref<4096xf32, #tpu.memory_space<vmem>>[vector<16xi32>], vector<16xf32>,
      %gather3A_132 = tpu.vector_load_idx %arg10[%get3A_124] : memref<4096xf32, #tpu.memory_space<vmem>>[vector<16xi32>], vector<16xf32>,
      %gather3A_133 = tpu.vector_load_idx %arg10[%get3A_130] : memref<4096xf32, #tpu.memory_space<vmem>>[vector<16xi32>], vector<16xf32>,
      %gather3A_134 = tpu.vector_load_idx %arg11[%get3A_124] : memref<4096xf32, #tpu.memory_space<vmem>>[vector<16xi32>], vector<16xf32>,
      %gather3A_135 = tpu.vector_load_idx %arg11[%get3A_130] : memref<4096xf32, #tpu.memory_space<vmem>>[vector<16xi32>], vector<16xf32>,
      %reduce_sum3A = arith.constant true
      %reduce_sum3A_136 = vector.broadcast %reduce_sum3A : i1 to vector<16xi1>
      %reduce_sum3A_137 = tpu.scan <sum>, %gather3A masked %reduce_sum3A_136 : vector<16xf32>, vector<16xi1> -> vector<16xf32>
      %reduce_sum3A_138 = vector.extract %reduce_sum3A_137[15] : f32 from vector<16xf32>
      %reduce_sum3A_139 = arith.constant true
      %reduce_sum3A_140 = vector.broadcast %reduce_sum3A_139 : i1 to vector<16xi1>
      %reduce_sum3A_141 = tpu.scan <sum>, %gather3A_131 masked %reduce_sum3A_140 : vector<16xf32>, vector<16xi1> -> vector<16xf32>
      %reduce_sum3A_142 = vector.extract %reduce_sum3A_141[15] : f32 from vector<16xf32>
      %add3A_143 = arith.addf %reduce_sum3A_138, %reduce_sum3A_142 : f32
      %mul3A_144 = arith.constant 3.125000e-02 : f32
      %mul3A_145 = arith.mulf %add3A_143, %mul3A_144 : f32
      %reduce_sum3A_146 = arith.constant true
      %reduce_sum3A_147 = vector.broadcast %reduce_sum3A_146 : i1 to vector<16xi1>
      %reduce_sum3A_148 = tpu.scan <sum>, %gather3A_132 masked %reduce_sum3A_147 : vector<16xf32>, vector<16xi1> -> vector<16xf32>
      %reduce_sum3A_149 = vector.extract %reduce_sum3A_148[15] : f32 from vector<16xf32>
      %reduce_sum3A_150 = arith.constant true
      %reduce_sum3A_151 = vector.broadcast %reduce_sum3A_150 : i1 to vector<16xi1>
      %reduce_sum3A_152 = tpu.scan <sum>, %gather3A_133 masked %reduce_sum3A_151 : vector<16xf32>, vector<16xi1> -> vector<16xf32>
      %reduce_sum3A_153 = vector.extract %reduce_sum3A_152[15] : f32 from vector<16xf32>
      %add3A_154 = arith.addf %reduce_sum3A_149, %reduce_sum3A_153 : f32
      %mul3A_155 = arith.constant 3.125000e-02 : f32
      %mul3A_156 = arith.mulf %add3A_154, %mul3A_155 : f32
      %reduce_sum3A_157 = arith.constant true
      %reduce_sum3A_158 = vector.broadcast %reduce_sum3A_157 : i1 to vector<16xi1>
      %reduce_sum3A_159 = tpu.scan <sum>, %gather3A_134 masked %reduce_sum3A_158 : vector<16xf32>, vector<16xi1> -> vector<16xf32>
      %reduce_sum3A_160 = vector.extract %reduce_sum3A_159[15] : f32 from vector<16xf32>
      %reduce_sum3A_161 = arith.constant true
      %reduce_sum3A_162 = vector.broadcast %reduce_sum3A_161 : i1 to vector<16xi1>
      %reduce_sum3A_163 = tpu.scan <sum>, %gather3A_135 masked %reduce_sum3A_162 : vector<16xf32>, vector<16xi1> -> vector<16xf32>
      %reduce_sum3A_164 = vector.extract %reduce_sum3A_163[15] : f32 from vector<16xf32>
      %add3A_165 = arith.addf %reduce_sum3A_160, %reduce_sum3A_164 : f32
      %mul3A_166 = arith.constant 3.125000e-02 : f32
      %mul3A_167 = arith.mulf %add3A_165, %mul3A_166 : f32
      %sub3A_168 = vector.broadcast %mul3A_145 : f32 to vector<16xf32>
      %sub3A_169 = arith.subf %gather3A, %sub3A_168 : vector<16xf32>
      %sub3A_170 = vector.broadcast %mul3A_156 : f32 to vector<16xf32>
      %sub3A_171 = arith.subf %gather3A_132, %sub3A_170 : vector<16xf32>
      %sub3A_172 = vector.broadcast %mul3A_167 : f32 to vector<16xf32>
      %sub3A_173 = arith.subf %gather3A_134, %sub3A_172 : vector<16xf32>
      %sub3A_174 = vector.broadcast %mul3A_145 : f32 to vector<16xf32>
      %sub3A_175 = arith.subf %gather3A_131, %sub3A_174 : vector<16xf32>
      %sub3A_176 = vector.broadcast %mul3A_156 : f32 to vector<16xf32>
      %sub3A_177 = arith.subf %gather3A_133, %sub3A_176 : vector<16xf32>
      %sub3A_178 = vector.broadcast %mul3A_167 : f32 to vector<16xf32>
      %sub3A_179 = arith.subf %gather3A_135, %sub3A_178 : vector<16xf32>
      %mul3A_180 = arith.mulf %sub3A_169, %sub3A_169 : vector<16xf32>
      %mul3A_181 = arith.mulf %sub3A_171, %sub3A_171 : vector<16xf32>
      %add3A_182 = arith.addf %mul3A_180, %mul3A_181 : vector<16xf32>
      %mul3A_183 = arith.mulf %sub3A_173, %sub3A_173 : vector<16xf32>
      %add3A_184 = arith.addf %add3A_182, %mul3A_183 : vector<16xf32>
      %mul3A_185 = arith.mulf %sub3A_175, %sub3A_175 : vector<16xf32>
      %mul3A_186 = arith.mulf %sub3A_177, %sub3A_177 : vector<16xf32>
      %add3A_187 = arith.addf %mul3A_185, %mul3A_186 : vector<16xf32>
      %mul3A_188 = arith.mulf %sub3A_179, %sub3A_179 : vector<16xf32>
      %add3A_189 = arith.addf %add3A_187, %mul3A_188 : vector<16xf32>
      %reduce_max3A = arith.constant true
      %reduce_max3A_190 = vector.broadcast %reduce_max3A : i1 to vector<16xi1>
      %reduce_max3A_191 = tpu.scan <max>, %add3A_184 masked %reduce_max3A_190 : vector<16xf32>, vector<16xi1> -> vector<16xf32>
      %reduce_max3A_192 = vector.extract %reduce_max3A_191[15] : f32 from vector<16xf32>
      %reduce_max3A_193 = arith.constant true
      %reduce_max3A_194 = vector.broadcast %reduce_max3A_193 : i1 to vector<16xi1>
      %reduce_max3A_195 = tpu.scan <max>, %add3A_189 masked %reduce_max3A_194 : vector<16xf32>, vector<16xi1> -> vector<16xf32>
      %reduce_max3A_196 = vector.extract %reduce_max3A_195[15] : f32 from vector<16xf32>
      %max3A = arith.maximumf %reduce_max3A_192, %reduce_max3A_196 : f32
      %broadcast_in_dim3A = vector.broadcast %max3A : f32 to vector<16xf32>
      %bitcast3A = vector.bitcast %broadcast_in_dim3A : vector<16xf32> to vector<16xi32>
      %shift_right_arithmetic3A = arith.constant 1 : i32
      %shift_right_arithmetic3A_197 = vector.broadcast %shift_right_arithmetic3A : i32 to vector<16xi32>
      %shift_right_arithmetic3A_198 = arith.shrsi %bitcast3A, %shift_right_arithmetic3A_197 : vector<16xi32>
      %sub3A_199 = vector.broadcast %scan3A_94 : i32 to vector<16xi32>
      %sub3A_200 = arith.subi %sub3A_199, %shift_right_arithmetic3A_198 : vector<16xi32>
      %bitcast3A_201 = vector.bitcast %sub3A_200 : vector<16xi32> to vector<16xf32>
      %mul3A_202 = vector.broadcast %scan3A_95 : f32 to vector<16xf32>
      %mul3A_203 = arith.mulf %mul3A_202, %broadcast_in_dim3A : vector<16xf32>
      %mul3A_204 = arith.mulf %mul3A_203, %bitcast3A_201 : vector<16xf32>
      %mul3A_205 = arith.mulf %mul3A_204, %bitcast3A_201 : vector<16xf32>
      %sub3A_206 = vector.broadcast %scan3A_96 : f32 to vector<16xf32>
      %sub3A_207 = arith.subf %sub3A_206, %mul3A_205 : vector<16xf32>
      %mul3A_208 = arith.mulf %bitcast3A_201, %sub3A_207 : vector<16xf32>
      %mul3A_209 = vector.broadcast %scan3A_95 : f32 to vector<16xf32>
      %mul3A_210 = arith.mulf %mul3A_209, %broadcast_in_dim3A : vector<16xf32>
      %mul3A_211 = arith.mulf %mul3A_210, %mul3A_208 : vector<16xf32>
      %mul3A_212 = arith.mulf %mul3A_211, %mul3A_208 : vector<16xf32>
      %sub3A_213 = vector.broadcast %scan3A_96 : f32 to vector<16xf32>
      %sub3A_214 = arith.subf %sub3A_213, %mul3A_212 : vector<16xf32>
      %mul3A_215 = arith.mulf %mul3A_208, %sub3A_214 : vector<16xf32>
      %mul3A_216 = vector.broadcast %scan3A_95 : f32 to vector<16xf32>
      %mul3A_217 = arith.mulf %mul3A_216, %broadcast_in_dim3A : vector<16xf32>
      %mul3A_218 = arith.mulf %mul3A_217, %mul3A_215 : vector<16xf32>
      %mul3A_219 = arith.mulf %mul3A_218, %mul3A_215 : vector<16xf32>
      %sub3A_220 = vector.broadcast %scan3A_96 : f32 to vector<16xf32>
      %sub3A_221 = arith.subf %sub3A_220, %mul3A_219 : vector<16xf32>
      %mul3A_222 = arith.mulf %mul3A_215, %sub3A_221 : vector<16xf32>
      %mul3A_223 = vector.broadcast %scan3A_95 : f32 to vector<16xf32>
      %mul3A_224 = arith.mulf %mul3A_223, %broadcast_in_dim3A : vector<16xf32>
      %mul3A_225 = arith.mulf %mul3A_224, %mul3A_222 : vector<16xf32>
      %mul3A_226 = arith.mulf %mul3A_225, %mul3A_222 : vector<16xf32>
      %sub3A_227 = vector.broadcast %scan3A_96 : f32 to vector<16xf32>
      %sub3A_228 = arith.subf %sub3A_227, %mul3A_226 : vector<16xf32>
      %mul3A_229 = arith.mulf %mul3A_222, %sub3A_228 : vector<16xf32>
      %mul3A_230 = arith.constant 32 : i32
      %mul3A_231 = arith.muli %mul3A_230, %scan3A_120 : i32
      %add3A_232 = vector.broadcast %mul3A_231 : i32 to vector<16xi32>
      %add3A_233 = arith.addi %add3A_232, %iota3A : vector<16xi32>
      %mul3A_234 = arith.constant 32 : i32
      %mul3A_235 = arith.muli %mul3A_234, %scan3A_120 : i32
      %add3A_236 = arith.constant 16 : i32
      %add3A_237 = arith.addi %mul3A_235, %add3A_236 : i32
      %add3A_238 = vector.broadcast %add3A_237 : i32 to vector<16xi32>
      %add3A_239 = arith.addi %add3A_238, %iota3A : vector<16xi32>
      %broadcast_in_dim3A_240 = arith.constant 0.000000e+00 : f32
      %broadcast_in_dim3A_241 = vector.broadcast %broadcast_in_dim3A_240 : f32 to vector<16xf32>
      %broadcast_in_dim3A_242 = arith.constant 0 : i32
      %broadcast_in_dim3A_243 = vector.broadcast %broadcast_in_dim3A_242 : i32 to vector<16xi32>
      %mul3A_244 = arith.mulf %sub3A_169, %mul3A_229 : vector<16xf32>
      tpu.vector_store_idx %arg20[%add3A_233, %broadcast_in_dim3A_243], %mul3A_244 : memref<4096x4xf32, #tpu.memory_space<vmem>>[vector<16xi32>, vector<16xi32>], vector<16xf32>,
      %broadcast_in_dim3A_245 = arith.constant 1 : i32
      %broadcast_in_dim3A_246 = vector.broadcast %broadcast_in_dim3A_245 : i32 to vector<16xi32>
      %mul3A_247 = arith.mulf %sub3A_171, %mul3A_229 : vector<16xf32>
      tpu.vector_store_idx %arg20[%add3A_233, %broadcast_in_dim3A_246], %mul3A_247 : memref<4096x4xf32, #tpu.memory_space<vmem>>[vector<16xi32>, vector<16xi32>], vector<16xf32>,
      %broadcast_in_dim3A_248 = arith.constant 2 : i32
      %broadcast_in_dim3A_249 = vector.broadcast %broadcast_in_dim3A_248 : i32 to vector<16xi32>
      %mul3A_250 = arith.mulf %sub3A_173, %mul3A_229 : vector<16xf32>
      tpu.vector_store_idx %arg20[%add3A_233, %broadcast_in_dim3A_249], %mul3A_250 : memref<4096x4xf32, #tpu.memory_space<vmem>>[vector<16xi32>, vector<16xi32>], vector<16xf32>,
      %broadcast_in_dim3A_251 = arith.constant 3 : i32
      %broadcast_in_dim3A_252 = vector.broadcast %broadcast_in_dim3A_251 : i32 to vector<16xi32>
      tpu.vector_store_idx %arg20[%add3A_233, %broadcast_in_dim3A_252], %broadcast_in_dim3A_241 : memref<4096x4xf32, #tpu.memory_space<vmem>>[vector<16xi32>, vector<16xi32>], vector<16xf32>,
      %broadcast_in_dim3A_253 = arith.constant 0 : i32
      %broadcast_in_dim3A_254 = vector.broadcast %broadcast_in_dim3A_253 : i32 to vector<16xi32>
      %mul3A_255 = arith.mulf %sub3A_175, %mul3A_229 : vector<16xf32>
      tpu.vector_store_idx %arg20[%add3A_239, %broadcast_in_dim3A_254], %mul3A_255 : memref<4096x4xf32, #tpu.memory_space<vmem>>[vector<16xi32>, vector<16xi32>], vector<16xf32>,
      %broadcast_in_dim3A_256 = arith.constant 1 : i32
      %broadcast_in_dim3A_257 = vector.broadcast %broadcast_in_dim3A_256 : i32 to vector<16xi32>
      %mul3A_258 = arith.mulf %sub3A_177, %mul3A_229 : vector<16xf32>
      tpu.vector_store_idx %arg20[%add3A_239, %broadcast_in_dim3A_257], %mul3A_258 : memref<4096x4xf32, #tpu.memory_space<vmem>>[vector<16xi32>, vector<16xi32>], vector<16xf32>,
      %broadcast_in_dim3A_259 = arith.constant 2 : i32
      %broadcast_in_dim3A_260 = vector.broadcast %broadcast_in_dim3A_259 : i32 to vector<16xi32>
      %mul3A_261 = arith.mulf %sub3A_179, %mul3A_229 : vector<16xf32>
      tpu.vector_store_idx %arg20[%add3A_239, %broadcast_in_dim3A_260], %mul3A_261 : memref<4096x4xf32, #tpu.memory_space<vmem>>[vector<16xi32>, vector<16xi32>], vector<16xf32>,
      %broadcast_in_dim3A_262 = arith.constant 3 : i32
      %broadcast_in_dim3A_263 = vector.broadcast %broadcast_in_dim3A_262 : i32 to vector<16xi32>
      tpu.vector_store_idx %arg20[%add3A_239, %broadcast_in_dim3A_263], %broadcast_in_dim3A_241 : memref<4096x4xf32, #tpu.memory_space<vmem>>[vector<16xi32>, vector<16xi32>], vector<16xf32>,
      %scan3A_264 = arith.constant 0 : i32
      scf.yield %scan3A_264 : i32
    }
    %scan3A_103 = arith.constant 128 : i32
    %mul3A_104 = arith.constant 16384 : i32
    %mul3A_105 = arith.muli %select_n3A, %mul3A_104 : i32
    %mul3A_106 = arith.constant 4096 : i32
    %mul3A_107 = arith.muli %select_n3A_30, %mul3A_106 : i32
    %add3A_108 = arith.addi %mul3A_105, %mul3A_107 : i32
    %dma_start3A = arith.constant 0 : i32
    %dma_start3A_109 = tpu.memref_slice %arg19[%dma_start3A] : memref<4096xi32, #tpu.memory_space<vmem>> -> memref<128xi32, #tpu.memory_space<vmem>>
    %dma_start3A_110 = arith.constant 0 : i32
    %dma_start3A_111 = arith.constant 0 : i32
    %dma_start3A_112 = tpu.memref_slice %arg6[%dma_start3A_110, %dma_start3A_111] : memref<32768x64xf32, #tpu.memory_space<hbm>> -> memref<32768x64xf32, #tpu.memory_space<hbm>>
    tpu.enqueue_indirect_dma source(%dma_start3A_112 : memref<32768x64xf32, #tpu.memory_space<hbm>>) target(%arg21 : memref<128x64xf32, #tpu.memory_space<vmem>>) offsets(%dma_start3A_109 : memref<128xi32, #tpu.memory_space<vmem>>) semaphore(%arg23 : memref<!tpu.dma_semaphore, #tpu.memory_space<semaphore_mem>>)
    %scan3A_113 = arith.constant 0 : i32
    %scan3A_114 = arith.constant 0 : i32
    %scan3A_115 = arith.constant 16 : i32
    %scan3A_116 = arith.addi %scan3A_114, %scan3A_115 : i32
    %scan3A_117 = arith.constant 1 : i32
    %scan3A_118 = scf.for %scan3A_120 = %scan3A_114 to %scan3A_116 step %scan3A_117 iter_args(%scan3A_121 = %scan3A_113) -> (i32)  : i32 {
      %mul3A_122 = arith.constant 2 : i32
      %mul3A_123 = arith.muli %mul3A_122, %scan3A_120 : i32
      %add3A_124 = arith.constant 1 : i32
      %add3A_125 = arith.addi %mul3A_123, %add3A_124 : i32
      %mul3A_126 = arith.constant 128 : i32
      %mul3A_127 = arith.muli %add3A_125, %mul3A_126 : i32
      %dma_start3A_128 = tpu.memref_slice %arg19[%mul3A_127] : memref<4096xi32, #tpu.memory_space<vmem>> -> memref<128xi32, #tpu.memory_space<vmem>>
      %dma_start3A_129 = arith.constant 0 : i32
      %dma_start3A_130 = arith.constant 0 : i32
      %dma_start3A_131 = tpu.memref_slice %arg6[%dma_start3A_129, %dma_start3A_130] : memref<32768x64xf32, #tpu.memory_space<hbm>> -> memref<32768x64xf32, #tpu.memory_space<hbm>>
      tpu.enqueue_indirect_dma source(%dma_start3A_131 : memref<32768x64xf32, #tpu.memory_space<hbm>>) target(%arg22 : memref<128x64xf32, #tpu.memory_space<vmem>>) offsets(%dma_start3A_128 : memref<128xi32, #tpu.memory_space<vmem>>) semaphore(%arg24 : memref<!tpu.dma_semaphore, #tpu.memory_space<semaphore_mem>>)
      %mul3A_132 = arith.constant 128 : i32
      %mul3A_133 = arith.muli %mul3A_123, %mul3A_132 : i32
      %dma_wait3A = tpu.memref_slice %arg19[%mul3A_133] : memref<4096xi32, #tpu.memory_space<vmem>> -> memref<128xi32, #tpu.memory_space<vmem>>
      %dma_wait3A_134 = arith.constant 0 : i32
      %dma_wait3A_135 = arith.constant 0 : i32
      %dma_wait3A_136 = tpu.memref_slice %arg6[%dma_wait3A_134, %dma_wait3A_135] : memref<32768x64xf32, #tpu.memory_space<hbm>> -> memref<32768x64xf32, #tpu.memory_space<hbm>>
      tpu.wait_indirect_dma semaphore(%arg23 : memref<!tpu.dma_semaphore, #tpu.memory_space<semaphore_mem>>) src(%dma_wait3A_136 : memref<32768x64xf32, #tpu.memory_space<hbm>>) dst(%arg21 : memref<128x64xf32, #tpu.memory_space<vmem>>)
      %mul3A_137 = arith.constant 128 : i32
      %mul3A_138 = arith.muli %mul3A_123, %mul3A_137 : i32
      %add3A_139 = arith.addi %add3A_108, %mul3A_138 : i32
      "tpu.region"() ({
        %run_scoped3A = tpu.sem_alloc : memref<!tpu.dma_semaphore, #tpu.memory_space<semaphore_mem>>
        %dma_start3A_153 = arith.constant 0 : i32
        %dma_start3A_154 = tpu.memref_slice %arg8[%add3A_139, %dma_start3A_153] : memref<131072x64xf32, #tpu.memory_space<hbm>> -> memref<128x64xf32, #tpu.memory_space<hbm>>
        %dma_start3A_155 = arith.constant 0 : i32
        %dma_start3A_156 = tpu.memref_slice %arg8[%add3A_139, %dma_start3A_155] : memref<131072x64xf32, #tpu.memory_space<hbm>> -> memref<128x64xf32, #tpu.memory_space<hbm>>
        tpu.enqueue_dma source(%arg21 : memref<128x64xf32, #tpu.memory_space<vmem>>) target(%dma_start3A_156 : memref<128x64xf32, #tpu.memory_space<hbm>>) target_semaphore(%run_scoped3A : memref<!tpu.dma_semaphore, #tpu.memory_space<semaphore_mem>>)
        %dma_wait3A_157 = arith.constant 0 : i32
        %dma_wait3A_158 = tpu.memref_slice %arg8[%add3A_139, %dma_wait3A_157] : memref<131072x64xf32, #tpu.memory_space<hbm>> -> memref<128x64xf32, #tpu.memory_space<hbm>>
        %dma_wait3A_159 = arith.constant 0 : i32
        %dma_wait3A_160 = tpu.memref_slice %arg8[%add3A_139, %dma_wait3A_159] : memref<131072x64xf32, #tpu.memory_space<hbm>> -> memref<128x64xf32, #tpu.memory_space<hbm>>
        tpu.wait_dma2 semaphore(%run_scoped3A : memref<!tpu.dma_semaphore, #tpu.memory_space<semaphore_mem>>) src(%arg21 : memref<128x64xf32, #tpu.memory_space<vmem>>) dst(%dma_wait3A_160 : memref<128x64xf32, #tpu.memory_space<hbm>>)
        tpu.yield
      }) : () -> ()
      %lt3A_140 = arith.constant 15 : i32
      %lt3A_141 = arith.cmpi slt, %scan3A_120, %lt3A_140 : i32
      %convert_element_type3A = arith.extui %lt3A_141 : i1 to i32
      %cond3A = arith.constant 0 : i32
      %cond3A_142 = arith.cmpi ne, %convert_element_type3A, %cond3A : i32
      scf.if %cond3A_142 {
        %add3A_153 = arith.constant 2 : i32
        %add3A_154 = arith.addi %mul3A_123, %add3A_153 : i32
        %mul3A_155 = arith.constant 128 : i32
        %mul3A_156 = arith.muli %add3A_154, %mul3A_155 : i32
        %dma_start3A_157 = tpu.memref_slice %arg19[%mul3A_156] : memref<4096xi32, #tpu.memory_space<vmem>> -> memref<128xi32, #tpu.memory_space<vmem>>
        %dma_start3A_158 = arith.constant 0 : i32
        %dma_start3A_159 = arith.constant 0 : i32
        %dma_start3A_160 = tpu.memref_slice %arg6[%dma_start3A_158, %dma_start3A_159] : memref<32768x64xf32, #tpu.memory_space<hbm>> -> memref<32768x64xf32, #tpu.memory_space<hbm>>
        tpu.enqueue_indirect_dma source(%dma_start3A_160 : memref<32768x64xf32, #tpu.memory_space<hbm>>) target(%arg21 : memref<128x64xf32, #tpu.memory_space<vmem>>) offsets(%dma_start3A_157 : memref<128xi32, #tpu.memory_space<vmem>>) semaphore(%arg23 : memref<!tpu.dma_semaphore, #tpu.memory_space<semaphore_mem>>)
      } else {
      }
      %dma_wait3A_143 = tpu.memref_slice %arg19[%mul3A_127] : memref<4096xi32, #tpu.memory_space<vmem>> -> memref<128xi32, #tpu.memory_space<vmem>>
      %dma_wait3A_144 = arith.constant 0 : i32
      %dma_wait3A_145 = arith.constant 0 : i32
      %dma_wait3A_146 = tpu.memref_slice %arg6[%dma_wait3A_144, %dma_wait3A_145] : memref<32768x64xf32, #tpu.memory_space<hbm>> -> memref<32768x64xf32, #tpu.memory_space<hbm>>
      tpu.wait_indirect_dma semaphore(%arg24 : memref<!tpu.dma_semaphore, #tpu.memory_space<semaphore_mem>>) src(%dma_wait3A_146 : memref<32768x64xf32, #tpu.memory_space<hbm>>) dst(%arg22 : memref<128x64xf32, #tpu.memory_space<vmem>>)
      %add3A_147 = arith.constant 1 : i32
      %add3A_148 = arith.addi %mul3A_123, %add3A_147 : i32
      %mul3A_149 = arith.constant 128 : i32
      %mul3A_150 = arith.muli %add3A_148, %mul3A_149 : i32
      %add3A_151 = arith.addi %add3A_108, %mul3A_150 : i32
      "tpu.region"() ({
        %run_scoped3A = tpu.sem_alloc : memref<!tpu.dma_semaphore, #tpu.memory_space<semaphore_mem>>
        %dma_start3A_153 = arith.constant 0 : i32
        %dma_start3A_154 = tpu.memref_slice %arg8[%add3A_151, %dma_start3A_153] : memref<131072x64xf32, #tpu.memory_space<hbm>> -> memref<128x64xf32, #tpu.memory_space<hbm>>
        %dma_start3A_155 = arith.constant 0 : i32
        %dma_start3A_156 = tpu.memref_slice %arg8[%add3A_151, %dma_start3A_155] : memref<131072x64xf32, #tpu.memory_space<hbm>> -> memref<128x64xf32, #tpu.memory_space<hbm>>
        tpu.enqueue_dma source(%arg22 : memref<128x64xf32, #tpu.memory_space<vmem>>) target(%dma_start3A_156 : memref<128x64xf32, #tpu.memory_space<hbm>>) target_semaphore(%run_scoped3A : memref<!tpu.dma_semaphore, #tpu.memory_space<semaphore_mem>>)
        %dma_wait3A_157 = arith.constant 0 : i32
        %dma_wait3A_158 = tpu.memref_slice %arg8[%add3A_151, %dma_wait3A_157] : memref<131072x64xf32, #tpu.memory_space<hbm>> -> memref<128x64xf32, #tpu.memory_space<hbm>>
        %dma_wait3A_159 = arith.constant 0 : i32
        %dma_wait3A_160 = tpu.memref_slice %arg8[%add3A_151, %dma_wait3A_159] : memref<131072x64xf32, #tpu.memory_space<hbm>> -> memref<128x64xf32, #tpu.memory_space<hbm>>
        tpu.wait_dma2 semaphore(%run_scoped3A : memref<!tpu.dma_semaphore, #tpu.memory_space<semaphore_mem>>) src(%arg22 : memref<128x64xf32, #tpu.memory_space<vmem>>) dst(%dma_wait3A_160 : memref<128x64xf32, #tpu.memory_space<hbm>>)
        tpu.yield
      }) : () -> ()
      %scan3A_152 = arith.constant 0 : i32
      scf.yield %scan3A_152 : i32
    }
    %scan3A_119 = arith.constant 16 : i32
    "tpu.region"() ({
      %run_scoped3A = tpu.sem_alloc : memref<!tpu.dma_semaphore, #tpu.memory_space<semaphore_mem>>
      %dma_start3A_120 = arith.constant 0 : i32
      %dma_start3A_121 = tpu.memref_slice %arg7[%add3A_108, %dma_start3A_120] : memref<131072x4xf32, #tpu.memory_space<hbm>> -> memref<4096x4xf32, #tpu.memory_space<hbm>>
      %dma_start3A_122 = arith.constant 0 : i32
      %dma_start3A_123 = tpu.memref_slice %arg7[%add3A_108, %dma_start3A_122] : memref<131072x4xf32, #tpu.memory_space<hbm>> -> memref<4096x4xf32, #tpu.memory_space<hbm>>
      tpu.enqueue_dma source(%arg20 : memref<4096x4xf32, #tpu.memory_space<vmem>>) target(%dma_start3A_123 : memref<4096x4xf32, #tpu.memory_space<hbm>>) target_semaphore(%run_scoped3A : memref<!tpu.dma_semaphore, #tpu.memory_space<semaphore_mem>>)
      %dma_wait3A = arith.constant 0 : i32
      %dma_wait3A_124 = tpu.memref_slice %arg7[%add3A_108, %dma_wait3A] : memref<131072x4xf32, #tpu.memory_space<hbm>> -> memref<4096x4xf32, #tpu.memory_space<hbm>>
      %dma_wait3A_125 = arith.constant 0 : i32
      %dma_wait3A_126 = tpu.memref_slice %arg7[%add3A_108, %dma_wait3A_125] : memref<131072x4xf32, #tpu.memory_space<hbm>> -> memref<4096x4xf32, #tpu.memory_space<hbm>>
      tpu.wait_dma2 semaphore(%run_scoped3A : memref<!tpu.dma_semaphore, #tpu.memory_space<semaphore_mem>>) src(%arg20 : memref<4096x4xf32, #tpu.memory_space<vmem>>) dst(%dma_wait3A_126 : memref<4096x4xf32, #tpu.memory_space<hbm>>)
      tpu.yield
    }) : () -> ()
    return
  }
}

module attributes {stable_mosaic.version = 14 : i64} {
  func.func @_fps_body(%arg0: memref<3x8x4096xf32, #tpu.memory_space<vmem>>, %arg1: memref<8x128xi32, #tpu.memory_space<vmem>>, %arg2: memref<512x8x3xf32, #tpu.memory_space<vmem>>) attributes {dimension_semantics = [], scalar_prefetch = 0 : i64, scratch_operands = 0 : i64, tpu.core_type = #tpu.core_type<tc>} {
    %get3A = arith.constant 0 : index
    %get3A_0 = arith.constant 0 : index
    %get3A_1 = arith.constant 0 : index
    %get3A_2 = vector.load %arg0[%get3A, %get3A_0, %get3A_1] : memref<3x8x4096xf32, #tpu.memory_space<vmem>>, vector<1x8x4096xf32>
    %get3A_3 = vector.shape_cast %get3A_2 : vector<1x8x4096xf32> to vector<8x4096xf32>
    %get3A_4 = arith.constant 1 : index
    %get3A_5 = arith.constant 0 : index
    %get3A_6 = arith.constant 0 : index
    %get3A_7 = vector.load %arg0[%get3A_4, %get3A_5, %get3A_6] : memref<3x8x4096xf32, #tpu.memory_space<vmem>>, vector<1x8x4096xf32>
    %get3A_8 = vector.shape_cast %get3A_7 : vector<1x8x4096xf32> to vector<8x4096xf32>
    %get3A_9 = arith.constant 2 : index
    %get3A_10 = arith.constant 0 : index
    %get3A_11 = arith.constant 0 : index
    %get3A_12 = vector.load %arg0[%get3A_9, %get3A_10, %get3A_11] : memref<3x8x4096xf32, #tpu.memory_space<vmem>>, vector<1x8x4096xf32>
    %get3A_13 = vector.shape_cast %get3A_12 : vector<1x8x4096xf32> to vector<8x4096xf32>
    %iota3A = tpu.iota {dimensions = array<i32: 1>} : vector<8x4096xi32>
    %get3A_14 = arith.constant 0 : index
    %get3A_15 = arith.constant 0 : index
    %get3A_16 = vector.load %arg1[%get3A_14, %get3A_15] : memref<8x128xi32, #tpu.memory_space<vmem>>, vector<8x1xi32>
    %broadcast_in_dim3A = arith.constant 1.000000e+10 : f32
    %broadcast_in_dim3A_17 = vector.broadcast %broadcast_in_dim3A : f32 to vector<8x4096xf32>
    %scan3A = arith.constant 0 : i32
    %scan3A_18 = arith.constant 512 : i32
    %scan3A_19 = arith.addi %scan3A, %scan3A_18 : i32
    %scan3A_20 = arith.constant 1 : i32
    %scan3A_21:2 = scf.for %scan3A_23 = %scan3A to %scan3A_19 step %scan3A_20 iter_args(%scan3A_24 = %get3A_16, %scan3A_25 = %broadcast_in_dim3A_17) -> (vector<8x1xi32>, vector<8x4096xf32>)  : i32 {
      %eq3A = vector.broadcast %scan3A_24 : vector<8x1xi32> to vector<8x4096xi32>
      %eq3A_26 = arith.cmpi eq, %iota3A, %eq3A : vector<8x4096xi32>
      %jit3A = arith.constant -1.000000e+00 : f32
      %broadcast_in_dim3A_27 = vector.broadcast %jit3A : f32 to vector<8x4096xf32>
      %select_n3A = arith.select %eq3A_26, %get3A_3, %broadcast_in_dim3A_27 : vector<8x4096xi1>, vector<8x4096xf32>
      %reduce_max3A = arith.constant dense<0xFF800000> : vector<8xf32>
      %reduce_max3A_28 = vector.multi_reduction <maximumf>, %select_n3A, %reduce_max3A [1] : vector<8x4096xf32> to vector<8xf32>
      %broadcast_in_dim3A_29 = vector.shape_cast %reduce_max3A_28 : vector<8xf32> to vector<8x1xf32>
      %jit3A_30 = arith.constant -1.000000e+00 : f32
      %broadcast_in_dim3A_31 = vector.broadcast %jit3A_30 : f32 to vector<8x4096xf32>
      %select_n3A_32 = arith.select %eq3A_26, %get3A_8, %broadcast_in_dim3A_31 : vector<8x4096xi1>, vector<8x4096xf32>
      %reduce_max3A_33 = arith.constant dense<0xFF800000> : vector<8xf32>
      %reduce_max3A_34 = vector.multi_reduction <maximumf>, %select_n3A_32, %reduce_max3A_33 [1] : vector<8x4096xf32> to vector<8xf32>
      %broadcast_in_dim3A_35 = vector.shape_cast %reduce_max3A_34 : vector<8xf32> to vector<8x1xf32>
      %jit3A_36 = arith.constant -1.000000e+00 : f32
      %broadcast_in_dim3A_37 = vector.broadcast %jit3A_36 : f32 to vector<8x4096xf32>
      %select_n3A_38 = arith.select %eq3A_26, %get3A_13, %broadcast_in_dim3A_37 : vector<8x4096xi1>, vector<8x4096xf32>
      %reduce_max3A_39 = arith.constant dense<0xFF800000> : vector<8xf32>
      %reduce_max3A_40 = vector.multi_reduction <maximumf>, %select_n3A_38, %reduce_max3A_39 [1] : vector<8x4096xf32> to vector<8xf32>
      %broadcast_in_dim3A_41 = vector.shape_cast %reduce_max3A_40 : vector<8xf32> to vector<8x1xf32>
      %concatenate3A = tpu.concatenate %broadcast_in_dim3A_29, %broadcast_in_dim3A_35, %broadcast_in_dim3A_41 in 1 : vector<8x1xf32>, vector<8x1xf32>, vector<8x1xf32> -> vector<8x3xf32>
      %reshape3A = vector.shape_cast %concatenate3A : vector<8x3xf32> to vector<1x8x3xf32>
      %swap3A = arith.index_cast %scan3A_23 : i32 to index
      %swap3A_42 = arith.constant 0 : index
      %swap3A_43 = arith.constant 0 : index
      %swap3A_44 = vector.load %arg2[%swap3A, %swap3A_42, %swap3A_43] : memref<512x8x3xf32, #tpu.memory_space<vmem>>, vector<1x8x3xf32>
      tpu.vector_store %arg2[%swap3A, %swap3A_42, %swap3A_43], %reshape3A {strides = array<i32>} : memref<512x8x3xf32, #tpu.memory_space<vmem>>, vector<1x8x3xf32>,
      %sub3A = vector.broadcast %broadcast_in_dim3A_29 : vector<8x1xf32> to vector<8x4096xf32>
      %sub3A_45 = arith.subf %get3A_3, %sub3A : vector<8x4096xf32>
      %sub3A_46 = vector.broadcast %broadcast_in_dim3A_35 : vector<8x1xf32> to vector<8x4096xf32>
      %sub3A_47 = arith.subf %get3A_8, %sub3A_46 : vector<8x4096xf32>
      %sub3A_48 = vector.broadcast %broadcast_in_dim3A_41 : vector<8x1xf32> to vector<8x4096xf32>
      %sub3A_49 = arith.subf %get3A_13, %sub3A_48 : vector<8x4096xf32>
      %mul3A = arith.mulf %sub3A_45, %sub3A_45 : vector<8x4096xf32>
      %mul3A_50 = arith.mulf %sub3A_47, %sub3A_47 : vector<8x4096xf32>
      %add3A = arith.addf %mul3A, %mul3A_50 : vector<8x4096xf32>
      %mul3A_51 = arith.mulf %sub3A_49, %sub3A_49 : vector<8x4096xf32>
      %add3A_52 = arith.addf %add3A, %mul3A_51 : vector<8x4096xf32>
      %min3A = arith.minimumf %scan3A_25, %add3A_52 : vector<8x4096xf32>
      %reduce_max3A_53 = arith.constant dense<0xFF800000> : vector<8xf32>
      %reduce_max3A_54 = vector.multi_reduction <maximumf>, %min3A, %reduce_max3A_53 [1] : vector<8x4096xf32> to vector<8xf32>
      %broadcast_in_dim3A_55 = vector.shape_cast %reduce_max3A_54 : vector<8xf32> to vector<8x1xf32>
      %eq3A_56 = vector.broadcast %broadcast_in_dim3A_55 : vector<8x1xf32> to vector<8x4096xf32>
      %eq3A_57 = arith.cmpf oeq, %min3A, %eq3A_56 : vector<8x4096xf32>
      %jit3A_58 = arith.constant 4096 : i32
      %broadcast_in_dim3A_59 = vector.broadcast %jit3A_58 : i32 to vector<8x4096xi32>
      %select_n3A_60 = arith.select %eq3A_57, %iota3A, %broadcast_in_dim3A_59 : vector<8x4096xi1>, vector<8x4096xi32>
      %reduce_min3A = arith.constant dense<2147483647> : vector<8xi32>
      %reduce_min3A_61 = vector.multi_reduction <minsi>, %select_n3A_60, %reduce_min3A [1] : vector<8x4096xi32> to vector<8xi32>
      %broadcast_in_dim3A_62 = vector.shape_cast %reduce_min3A_61 : vector<8xi32> to vector<8x1xi32>
      scf.yield %broadcast_in_dim3A_62, %min3A : vector<8x1xi32>, vector<8x4096xf32>
    }
    %scan3A_22 = arith.constant 512 : i32
    return
  }
}

module attributes {stable_mosaic.version = 14 : i64} {
  func.func @_layer1_body(%arg0: i32, %arg1: i32, %arg2: memref<1x8192x4xf32, #tpu.memory_space<vmem>>, %arg3: memref<1x8192x64xf32, #tpu.memory_space<vmem>>, %arg4: memref<4x64xf32, #tpu.memory_space<vmem>>, %arg5: memref<64x64xf32, #tpu.memory_space<vmem>>, %arg6: memref<8x64xf32, #tpu.memory_space<vmem>>, %arg7: memref<1x8192x64xf32, #tpu.memory_space<vmem>>, %arg8: memref<8x64xf32, #tpu.memory_space<vmem>>) attributes {dimension_semantics = [#tpu.dimension_semantics<arbitrary>, #tpu.dimension_semantics<arbitrary>], iteration_bounds = array<i64: 8, 2>, scalar_prefetch = 0 : i64, scratch_operands = 0 : i64, tpu.core_type = #tpu.core_type<tc>, window_params = [{transform_indices = @transform_0, window_bounds = array<i64: 1, 8192, 4>}, {transform_indices = @transform_1, window_bounds = array<i64: 1, 8192, 64>}, {pipeline_mode = #tpu.pipeline_mode<synchronous>, transform_indices = @transform_2, window_bounds = array<i64: 4, 64>}, {pipeline_mode = #tpu.pipeline_mode<synchronous>, transform_indices = @transform_3, window_bounds = array<i64: 64, 64>}, {pipeline_mode = #tpu.pipeline_mode<synchronous>, transform_indices = @transform_4, window_bounds = array<i64: 8, 64>}, {transform_indices = @transform_5, window_bounds = array<i64: 1, 8192, 64>}, {pipeline_mode = #tpu.pipeline_mode<synchronous>, transform_indices = @transform_6, window_bounds = array<i64: 8, 64>}]} {
    %get3A = arith.constant 0 : index
    %get3A_0 = arith.constant 0 : index
    %get3A_1 = arith.constant 0 : index
    %get3A_2 = vector.load %arg3[%get3A, %get3A_0, %get3A_1] : memref<1x8192x64xf32, #tpu.memory_space<vmem>>, vector<1x8192x64xf32>
    %get3A_3 = vector.shape_cast %get3A_2 : vector<1x8192x64xf32> to vector<8192x64xf32>
    %get3A_4 = arith.constant 0 : index
    %get3A_5 = arith.constant 0 : index
    %get3A_6 = vector.load %arg5[%get3A_4, %get3A_5] : memref<64x64xf32, #tpu.memory_space<vmem>>, vector<64x64xf32>
    %dot_general3A = arith.constant dense<0.000000e+00> : vector<8192x64xf32>
    %dot_general3A_7 = tpu.matmul %get3A_3, %get3A_6, %dot_general3A {dimension_numbers = #tpu.dot_dimension_numbers<[1], [0], [0], [1], [0, 0, 1, 1], [], []>, transpose_lhs_hint = false} : vector<8192x64xf32>, vector<64x64xf32>, vector<8192x64xf32> -> vector<8192x64xf32>
    %get3A_8 = arith.constant 0 : index
    %get3A_9 = arith.constant 0 : index
    %get3A_10 = arith.constant 0 : index
    %get3A_11 = vector.load %arg2[%get3A_8, %get3A_9, %get3A_10] : memref<1x8192x4xf32, #tpu.memory_space<vmem>>, vector<1x8192x4xf32>
    %get3A_12 = vector.shape_cast %get3A_11 : vector<1x8192x4xf32> to vector<8192x4xf32>
    %get3A_13 = arith.constant 0 : index
    %get3A_14 = arith.constant 0 : index
    %get3A_15 = vector.load %arg4[%get3A_13, %get3A_14] : memref<4x64xf32, #tpu.memory_space<vmem>>, vector<4x64xf32>
    %dot_general3A_16 = arith.constant dense<0.000000e+00> : vector<8192x64xf32>
    %dot_general3A_17 = tpu.matmul %get3A_12, %get3A_15, %dot_general3A_16 {dimension_numbers = #tpu.dot_dimension_numbers<[1], [0], [0], [1], [0, 0, 1, 1], [], []>, transpose_lhs_hint = false} : vector<8192x4xf32>, vector<4x64xf32>, vector<8192x64xf32> -> vector<8192x64xf32>
    %add3A = arith.addf %dot_general3A_7, %dot_general3A_17 : vector<8192x64xf32>
    %get3A_18 = arith.constant 0 : index
    %get3A_19 = arith.constant 0 : index
    %get3A_20 = vector.load %arg6[%get3A_18, %get3A_19] : memref<8x64xf32, #tpu.memory_space<vmem>>, vector<1x64xf32>
    %add3A_21 = vector.broadcast %get3A_20 : vector<1x64xf32> to vector<8192x64xf32>
    %add3A_22 = arith.addf %add3A, %add3A_21 : vector<8192x64xf32>
    %swap3A = arith.constant 0 : index
    %swap3A_23 = arith.constant 0 : index
    %swap3A_24 = arith.constant 0 : index
    %swap3A_25 = vector.load %arg7[%swap3A, %swap3A_23, %swap3A_24] : memref<1x8192x64xf32, #tpu.memory_space<vmem>>, vector<1x8192x64xf32>
    %swap3A_26 = vector.shape_cast %swap3A_25 : vector<1x8192x64xf32> to vector<8192x64xf32>
    %swap3A_27 = vector.shape_cast %add3A_22 : vector<8192x64xf32> to vector<1x8192x64xf32>
    tpu.vector_store %arg7[%swap3A, %swap3A_23, %swap3A_24], %swap3A_27 {strides = array<i32>} : memref<1x8192x64xf32, #tpu.memory_space<vmem>>, vector<1x8192x64xf32>,
    %eq3A = arith.constant 0 : i32
    %eq3A_28 = arith.cmpi eq, %arg0, %eq3A : i32
    %eq3A_29 = arith.constant 0 : i32
    %eq3A_30 = arith.cmpi eq, %arg1, %eq3A_29 : i32
    %and3A = arith.andi %eq3A_28, %eq3A_30 : i1
    %convert_element_type3A = arith.extui %and3A : i1 to i32
    %cond3A = arith.constant 0 : i32
    %cond3A_31 = arith.cmpi ne, %convert_element_type3A, %cond3A : i32
    scf.if %cond3A_31 {
      %broadcast_in_dim3A_50 = arith.constant 0.000000e+00 : f32
      %broadcast_in_dim3A_51 = vector.broadcast %broadcast_in_dim3A_50 : f32 to vector<8x64xf32>
      %swap3A_52 = arith.constant 0 : index
      %swap3A_53 = arith.constant 0 : index
      %swap3A_54 = vector.load %arg8[%swap3A_52, %swap3A_53] : memref<8x64xf32, #tpu.memory_space<vmem>>, vector<8x64xf32>
      tpu.vector_store %arg8[%swap3A_52, %swap3A_53], %broadcast_in_dim3A_51 {strides = array<i32>} : memref<8x64xf32, #tpu.memory_space<vmem>>, vector<8x64xf32>,
    } else {
    }
    %get3A_32 = arith.constant 0 : index
    %get3A_33 = arith.constant 0 : index
    %get3A_34 = vector.load %arg8[%get3A_32, %get3A_33] : memref<8x64xf32, #tpu.memory_space<vmem>>, vector<1x64xf32>
    %reduce_sum3A = arith.constant dense<0.000000e+00> : vector<64xf32>
    %reduce_sum3A_35 = vector.multi_reduction <add>, %add3A_22, %reduce_sum3A [0] : vector<8192x64xf32> to vector<64xf32>
    %broadcast_in_dim3A = vector.shape_cast %reduce_sum3A_35 : vector<64xf32> to vector<1x64xf32>
    %add3A_36 = arith.addf %get3A_34, %broadcast_in_dim3A : vector<1x64xf32>
    %swap3A_37 = arith.constant 0 : index
    %swap3A_38 = arith.constant 0 : index
    %swap3A_39 = vector.load %arg8[%swap3A_37, %swap3A_38] : memref<8x64xf32, #tpu.memory_space<vmem>>, vector<1x64xf32>
    tpu.vector_store %arg8[%swap3A_37, %swap3A_38], %add3A_36 {strides = array<i32>} : memref<8x64xf32, #tpu.memory_space<vmem>>, vector<1x64xf32>,
    %get3A_40 = arith.constant 1 : index
    %get3A_41 = arith.constant 0 : index
    %get3A_42 = vector.load %arg8[%get3A_40, %get3A_41] : memref<8x64xf32, #tpu.memory_space<vmem>>, vector<1x64xf32>
    %mul3A = arith.mulf %add3A_22, %add3A_22 : vector<8192x64xf32>
    %reduce_sum3A_43 = arith.constant dense<0.000000e+00> : vector<64xf32>
    %reduce_sum3A_44 = vector.multi_reduction <add>, %mul3A, %reduce_sum3A_43 [0] : vector<8192x64xf32> to vector<64xf32>
    %broadcast_in_dim3A_45 = vector.shape_cast %reduce_sum3A_44 : vector<64xf32> to vector<1x64xf32>
    %add3A_46 = arith.addf %get3A_42, %broadcast_in_dim3A_45 : vector<1x64xf32>
    %swap3A_47 = arith.constant 1 : index
    %swap3A_48 = arith.constant 0 : index
    %swap3A_49 = vector.load %arg8[%swap3A_47, %swap3A_48] : memref<8x64xf32, #tpu.memory_space<vmem>>, vector<1x64xf32>
    tpu.vector_store %arg8[%swap3A_47, %swap3A_48], %add3A_46 {strides = array<i32>} : memref<8x64xf32, #tpu.memory_space<vmem>>, vector<1x64xf32>,
    return
  }
  func.func @transform_0(%arg0: i32, %arg1: i32) -> (i32, i32, i32) {
    %c0_i32 = arith.constant 0 : i32
    %c0_i32_0 = arith.constant 0 : i32
    return %arg0, %arg1, %c0_i32 : i32, i32, i32
  }
  func.func @transform_1(%arg0: i32, %arg1: i32) -> (i32, i32, i32) {
    %c0_i32 = arith.constant 0 : i32
    %c0_i32_0 = arith.constant 0 : i32
    return %arg0, %arg1, %c0_i32 : i32, i32, i32
  }
  func.func @transform_2(%arg0: i32, %arg1: i32) -> (i32, i32) {
    %c0_i32 = arith.constant 0 : i32
    %c0_i32_0 = arith.constant 0 : i32
    %c0_i32_1 = arith.constant 0 : i32
    return %c0_i32, %c0_i32_0 : i32, i32
  }
  func.func @transform_3(%arg0: i32, %arg1: i32) -> (i32, i32) {
    %c0_i32 = arith.constant 0 : i32
    %c0_i32_0 = arith.constant 0 : i32
    %c0_i32_1 = arith.constant 0 : i32
    return %c0_i32, %c0_i32_0 : i32, i32
  }
  func.func @transform_4(%arg0: i32, %arg1: i32) -> (i32, i32) {
    %c0_i32 = arith.constant 0 : i32
    %c0_i32_0 = arith.constant 0 : i32
    %c0_i32_1 = arith.constant 0 : i32
    return %c0_i32, %c0_i32_0 : i32, i32
  }
  func.func @transform_5(%arg0: i32, %arg1: i32) -> (i32, i32, i32) {
    %c0_i32 = arith.constant 0 : i32
    %c0_i32_0 = arith.constant 0 : i32
    return %arg0, %arg1, %c0_i32 : i32, i32, i32
  }
  func.func @transform_6(%arg0: i32, %arg1: i32) -> (i32, i32) {
    %c0_i32 = arith.constant 0 : i32
    %c0_i32_0 = arith.constant 0 : i32
    %c0_i32_1 = arith.constant 0 : i32
    return %c0_i32, %c0_i32_0 : i32, i32
  }
}

module attributes {stable_mosaic.version = 14 : i64} {
  func.func @_layer_body(%arg0: i32, %arg1: i32, %arg2: memref<1x8192x64xf32, #tpu.memory_space<vmem>>, %arg3: memref<64x64xf32, #tpu.memory_space<vmem>>, %arg4: memref<8x64xf32, #tpu.memory_space<vmem>>, %arg5: memref<8x64xf32, #tpu.memory_space<vmem>>, %arg6: memref<8x64xf32, #tpu.memory_space<vmem>>, %arg7: memref<1x8192x64xf32, #tpu.memory_space<vmem>>, %arg8: memref<8x64xf32, #tpu.memory_space<vmem>>) attributes {dimension_semantics = [#tpu.dimension_semantics<arbitrary>, #tpu.dimension_semantics<arbitrary>], iteration_bounds = array<i64: 8, 2>, scalar_prefetch = 0 : i64, scratch_operands = 0 : i64, tpu.core_type = #tpu.core_type<tc>, window_params = [{transform_indices = @transform_0, window_bounds = array<i64: 1, 8192, 64>}, {pipeline_mode = #tpu.pipeline_mode<synchronous>, transform_indices = @transform_1, window_bounds = array<i64: 64, 64>}, {pipeline_mode = #tpu.pipeline_mode<synchronous>, transform_indices = @transform_2, window_bounds = array<i64: 8, 64>}, {pipeline_mode = #tpu.pipeline_mode<synchronous>, transform_indices = @transform_3, window_bounds = array<i64: 8, 64>}, {pipeline_mode = #tpu.pipeline_mode<synchronous>, transform_indices = @transform_4, window_bounds = array<i64: 8, 64>}, {transform_indices = @transform_5, window_bounds = array<i64: 1, 8192, 64>}, {pipeline_mode = #tpu.pipeline_mode<synchronous>, transform_indices = @transform_6, window_bounds = array<i64: 8, 64>}]} {
    %get3A = arith.constant 0 : index
    %get3A_0 = arith.constant 0 : index
    %get3A_1 = arith.constant 0 : index
    %get3A_2 = vector.load %arg2[%get3A, %get3A_0, %get3A_1] : memref<1x8192x64xf32, #tpu.memory_space<vmem>>, vector<1x8192x64xf32>
    %get3A_3 = vector.shape_cast %get3A_2 : vector<1x8192x64xf32> to vector<8192x64xf32>
    %get3A_4 = arith.constant 0 : index
    %get3A_5 = arith.constant 0 : index
    %get3A_6 = vector.load %arg4[%get3A_4, %get3A_5] : memref<8x64xf32, #tpu.memory_space<vmem>>, vector<1x64xf32>
    %mul3A = vector.broadcast %get3A_6 : vector<1x64xf32> to vector<8192x64xf32>
    %mul3A_7 = arith.mulf %get3A_3, %mul3A : vector<8192x64xf32>
    %get3A_8 = arith.constant 0 : index
    %get3A_9 = arith.constant 0 : index
    %get3A_10 = vector.load %arg5[%get3A_8, %get3A_9] : memref<8x64xf32, #tpu.memory_space<vmem>>, vector<1x64xf32>
    %add3A = vector.broadcast %get3A_10 : vector<1x64xf32> to vector<8192x64xf32>
    %add3A_11 = arith.addf %mul3A_7, %add3A : vector<8192x64xf32>
    %max3A = arith.constant 0.000000e+00 : f32
    %max3A_12 = vector.broadcast %max3A : f32 to vector<8192x64xf32>
    %max3A_13 = arith.maximumf %add3A_11, %max3A_12 : vector<8192x64xf32>
    %get3A_14 = arith.constant 0 : index
    %get3A_15 = arith.constant 0 : index
    %get3A_16 = vector.load %arg3[%get3A_14, %get3A_15] : memref<64x64xf32, #tpu.memory_space<vmem>>, vector<64x64xf32>
    %dot_general3A = arith.constant dense<0.000000e+00> : vector<8192x64xf32>
    %dot_general3A_17 = tpu.matmul %max3A_13, %get3A_16, %dot_general3A {dimension_numbers = #tpu.dot_dimension_numbers<[1], [0], [0], [1], [0, 0, 1, 1], [], []>, transpose_lhs_hint = false} : vector<8192x64xf32>, vector<64x64xf32>, vector<8192x64xf32> -> vector<8192x64xf32>
    %get3A_18 = arith.constant 0 : index
    %get3A_19 = arith.constant 0 : index
    %get3A_20 = vector.load %arg6[%get3A_18, %get3A_19] : memref<8x64xf32, #tpu.memory_space<vmem>>, vector<1x64xf32>
    %add3A_21 = vector.broadcast %get3A_20 : vector<1x64xf32> to vector<8192x64xf32>
    %add3A_22 = arith.addf %dot_general3A_17, %add3A_21 : vector<8192x64xf32>
    %swap3A = arith.constant 0 : index
    %swap3A_23 = arith.constant 0 : index
    %swap3A_24 = arith.constant 0 : index
    %swap3A_25 = vector.load %arg7[%swap3A, %swap3A_23, %swap3A_24] : memref<1x8192x64xf32, #tpu.memory_space<vmem>>, vector<1x8192x64xf32>
    %swap3A_26 = vector.shape_cast %swap3A_25 : vector<1x8192x64xf32> to vector<8192x64xf32>
    %swap3A_27 = vector.shape_cast %add3A_22 : vector<8192x64xf32> to vector<1x8192x64xf32>
    tpu.vector_store %arg7[%swap3A, %swap3A_23, %swap3A_24], %swap3A_27 {strides = array<i32>} : memref<1x8192x64xf32, #tpu.memory_space<vmem>>, vector<1x8192x64xf32>,
    %eq3A = arith.constant 0 : i32
    %eq3A_28 = arith.cmpi eq, %arg0, %eq3A : i32
    %eq3A_29 = arith.constant 0 : i32
    %eq3A_30 = arith.cmpi eq, %arg1, %eq3A_29 : i32
    %and3A = arith.andi %eq3A_28, %eq3A_30 : i1
    %convert_element_type3A = arith.extui %and3A : i1 to i32
    %cond3A = arith.constant 0 : i32
    %cond3A_31 = arith.cmpi ne, %convert_element_type3A, %cond3A : i32
    scf.if %cond3A_31 {
      %broadcast_in_dim3A_51 = arith.constant 0.000000e+00 : f32
      %broadcast_in_dim3A_52 = vector.broadcast %broadcast_in_dim3A_51 : f32 to vector<8x64xf32>
      %swap3A_53 = arith.constant 0 : index
      %swap3A_54 = arith.constant 0 : index
      %swap3A_55 = vector.load %arg8[%swap3A_53, %swap3A_54] : memref<8x64xf32, #tpu.memory_space<vmem>>, vector<8x64xf32>
      tpu.vector_store %arg8[%swap3A_53, %swap3A_54], %broadcast_in_dim3A_52 {strides = array<i32>} : memref<8x64xf32, #tpu.memory_space<vmem>>, vector<8x64xf32>,
    } else {
    }
    %get3A_32 = arith.constant 0 : index
    %get3A_33 = arith.constant 0 : index
    %get3A_34 = vector.load %arg8[%get3A_32, %get3A_33] : memref<8x64xf32, #tpu.memory_space<vmem>>, vector<1x64xf32>
    %reduce_sum3A = arith.constant dense<0.000000e+00> : vector<64xf32>
    %reduce_sum3A_35 = vector.multi_reduction <add>, %add3A_22, %reduce_sum3A [0] : vector<8192x64xf32> to vector<64xf32>
    %broadcast_in_dim3A = vector.shape_cast %reduce_sum3A_35 : vector<64xf32> to vector<1x64xf32>
    %add3A_36 = arith.addf %get3A_34, %broadcast_in_dim3A : vector<1x64xf32>
    %swap3A_37 = arith.constant 0 : index
    %swap3A_38 = arith.constant 0 : index
    %swap3A_39 = vector.load %arg8[%swap3A_37, %swap3A_38] : memref<8x64xf32, #tpu.memory_space<vmem>>, vector<1x64xf32>
    tpu.vector_store %arg8[%swap3A_37, %swap3A_38], %add3A_36 {strides = array<i32>} : memref<8x64xf32, #tpu.memory_space<vmem>>, vector<1x64xf32>,
    %get3A_40 = arith.constant 1 : index
    %get3A_41 = arith.constant 0 : index
    %get3A_42 = vector.load %arg8[%get3A_40, %get3A_41] : memref<8x64xf32, #tpu.memory_space<vmem>>, vector<1x64xf32>
    %mul3A_43 = arith.mulf %add3A_22, %add3A_22 : vector<8192x64xf32>
    %reduce_sum3A_44 = arith.constant dense<0.000000e+00> : vector<64xf32>
    %reduce_sum3A_45 = vector.multi_reduction <add>, %mul3A_43, %reduce_sum3A_44 [0] : vector<8192x64xf32> to vector<64xf32>
    %broadcast_in_dim3A_46 = vector.shape_cast %reduce_sum3A_45 : vector<64xf32> to vector<1x64xf32>
    %add3A_47 = arith.addf %get3A_42, %broadcast_in_dim3A_46 : vector<1x64xf32>
    %swap3A_48 = arith.constant 1 : index
    %swap3A_49 = arith.constant 0 : index
    %swap3A_50 = vector.load %arg8[%swap3A_48, %swap3A_49] : memref<8x64xf32, #tpu.memory_space<vmem>>, vector<1x64xf32>
    tpu.vector_store %arg8[%swap3A_48, %swap3A_49], %add3A_47 {strides = array<i32>} : memref<8x64xf32, #tpu.memory_space<vmem>>, vector<1x64xf32>,
    return
  }
  func.func @transform_0(%arg0: i32, %arg1: i32) -> (i32, i32, i32) {
    %c0_i32 = arith.constant 0 : i32
    %c0_i32_0 = arith.constant 0 : i32
    return %arg0, %arg1, %c0_i32 : i32, i32, i32
  }
  func.func @transform_1(%arg0: i32, %arg1: i32) -> (i32, i32) {
    %c0_i32 = arith.constant 0 : i32
    %c0_i32_0 = arith.constant 0 : i32
    %c0_i32_1 = arith.constant 0 : i32
    return %c0_i32, %c0_i32_0 : i32, i32
  }
  func.func @transform_2(%arg0: i32, %arg1: i32) -> (i32, i32) {
    %c0_i32 = arith.constant 0 : i32
    %c0_i32_0 = arith.constant 0 : i32
    %c0_i32_1 = arith.constant 0 : i32
    return %c0_i32, %c0_i32_0 : i32, i32
  }
  func.func @transform_3(%arg0: i32, %arg1: i32) -> (i32, i32) {
    %c0_i32 = arith.constant 0 : i32
    %c0_i32_0 = arith.constant 0 : i32
    %c0_i32_1 = arith.constant 0 : i32
    return %c0_i32, %c0_i32_0 : i32, i32
  }
  func.func @transform_4(%arg0: i32, %arg1: i32) -> (i32, i32) {
    %c0_i32 = arith.constant 0 : i32
    %c0_i32_0 = arith.constant 0 : i32
    %c0_i32_1 = arith.constant 0 : i32
    return %c0_i32, %c0_i32_0 : i32, i32
  }
  func.func @transform_5(%arg0: i32, %arg1: i32) -> (i32, i32, i32) {
    %c0_i32 = arith.constant 0 : i32
    %c0_i32_0 = arith.constant 0 : i32
    return %arg0, %arg1, %c0_i32 : i32, i32, i32
  }
  func.func @transform_6(%arg0: i32, %arg1: i32) -> (i32, i32) {
    %c0_i32 = arith.constant 0 : i32
    %c0_i32_0 = arith.constant 0 : i32
    %c0_i32_1 = arith.constant 0 : i32
    return %c0_i32, %c0_i32_0 : i32, i32
  }
}

module attributes {stable_mosaic.version = 14 : i64} {
  func.func @_layer3_stats_body(%arg0: i32, %arg1: i32, %arg2: memref<1x8192x64xf32, #tpu.memory_space<vmem>>, %arg3: memref<64x128xf32, #tpu.memory_space<vmem>>, %arg4: memref<8x64xf32, #tpu.memory_space<vmem>>, %arg5: memref<8x64xf32, #tpu.memory_space<vmem>>, %arg6: memref<8x128xf32, #tpu.memory_space<vmem>>, %arg7: memref<8x128xf32, #tpu.memory_space<vmem>>) attributes {dimension_semantics = [#tpu.dimension_semantics<arbitrary>, #tpu.dimension_semantics<arbitrary>], iteration_bounds = array<i64: 8, 2>, scalar_prefetch = 0 : i64, scratch_operands = 0 : i64, tpu.core_type = #tpu.core_type<tc>, window_params = [{transform_indices = @transform_0, window_bounds = array<i64: 1, 8192, 64>}, {pipeline_mode = #tpu.pipeline_mode<synchronous>, transform_indices = @transform_1, window_bounds = array<i64: 64, 128>}, {pipeline_mode = #tpu.pipeline_mode<synchronous>, transform_indices = @transform_2, window_bounds = array<i64: 8, 64>}, {pipeline_mode = #tpu.pipeline_mode<synchronous>, transform_indices = @transform_3, window_bounds = array<i64: 8, 64>}, {pipeline_mode = #tpu.pipeline_mode<synchronous>, transform_indices = @transform_4, window_bounds = array<i64: 8, 128>}, {pipeline_mode = #tpu.pipeline_mode<synchronous>, transform_indices = @transform_5, window_bounds = array<i64: 8, 128>}]} {
    %get3A = arith.constant 0 : index
    %get3A_0 = arith.constant 0 : index
    %get3A_1 = arith.constant 0 : index
    %get3A_2 = vector.load %arg2[%get3A, %get3A_0, %get3A_1] : memref<1x8192x64xf32, #tpu.memory_space<vmem>>, vector<1x8192x64xf32>
    %get3A_3 = vector.shape_cast %get3A_2 : vector<1x8192x64xf32> to vector<8192x64xf32>
    %get3A_4 = arith.constant 0 : index
    %get3A_5 = arith.constant 0 : index
    %get3A_6 = vector.load %arg4[%get3A_4, %get3A_5] : memref<8x64xf32, #tpu.memory_space<vmem>>, vector<1x64xf32>
    %mul3A = vector.broadcast %get3A_6 : vector<1x64xf32> to vector<8192x64xf32>
    %mul3A_7 = arith.mulf %get3A_3, %mul3A : vector<8192x64xf32>
    %get3A_8 = arith.constant 0 : index
    %get3A_9 = arith.constant 0 : index
    %get3A_10 = vector.load %arg5[%get3A_8, %get3A_9] : memref<8x64xf32, #tpu.memory_space<vmem>>, vector<1x64xf32>
    %add3A = vector.broadcast %get3A_10 : vector<1x64xf32> to vector<8192x64xf32>
    %add3A_11 = arith.addf %mul3A_7, %add3A : vector<8192x64xf32>
    %max3A = arith.constant 0.000000e+00 : f32
    %max3A_12 = vector.broadcast %max3A : f32 to vector<8192x64xf32>
    %max3A_13 = arith.maximumf %add3A_11, %max3A_12 : vector<8192x64xf32>
    %get3A_14 = arith.constant 0 : index
    %get3A_15 = arith.constant 0 : index
    %get3A_16 = vector.load %arg3[%get3A_14, %get3A_15] : memref<64x128xf32, #tpu.memory_space<vmem>>, vector<64x128xf32>
    %dot_general3A = arith.constant dense<0.000000e+00> : vector<8192x128xf32>
    %dot_general3A_17 = tpu.matmul %max3A_13, %get3A_16, %dot_general3A {dimension_numbers = #tpu.dot_dimension_numbers<[1], [0], [0], [1], [0, 0, 1, 1], [], []>, transpose_lhs_hint = false} : vector<8192x64xf32>, vector<64x128xf32>, vector<8192x128xf32> -> vector<8192x128xf32>
    %get3A_18 = arith.constant 0 : index
    %get3A_19 = arith.constant 0 : index
    %get3A_20 = vector.load %arg6[%get3A_18, %get3A_19] : memref<8x128xf32, #tpu.memory_space<vmem>>, vector<1x128xf32>
    %add3A_21 = vector.broadcast %get3A_20 : vector<1x128xf32> to vector<8192x128xf32>
    %add3A_22 = arith.addf %dot_general3A_17, %add3A_21 : vector<8192x128xf32>
    %eq3A = arith.constant 0 : i32
    %eq3A_23 = arith.cmpi eq, %arg0, %eq3A : i32
    %eq3A_24 = arith.constant 0 : i32
    %eq3A_25 = arith.cmpi eq, %arg1, %eq3A_24 : i32
    %and3A = arith.andi %eq3A_23, %eq3A_25 : i1
    %convert_element_type3A = arith.extui %and3A : i1 to i32
    %cond3A = arith.constant 0 : i32
    %cond3A_26 = arith.cmpi ne, %convert_element_type3A, %cond3A : i32
    scf.if %cond3A_26 {
      %broadcast_in_dim3A_45 = arith.constant 0.000000e+00 : f32
      %broadcast_in_dim3A_46 = vector.broadcast %broadcast_in_dim3A_45 : f32 to vector<8x128xf32>
      %swap3A_47 = arith.constant 0 : index
      %swap3A_48 = arith.constant 0 : index
      %swap3A_49 = vector.load %arg7[%swap3A_47, %swap3A_48] : memref<8x128xf32, #tpu.memory_space<vmem>>, vector<8x128xf32>
      tpu.vector_store %arg7[%swap3A_47, %swap3A_48], %broadcast_in_dim3A_46 {strides = array<i32>} : memref<8x128xf32, #tpu.memory_space<vmem>>, vector<8x128xf32>,
    } else {
    }
    %get3A_27 = arith.constant 0 : index
    %get3A_28 = arith.constant 0 : index
    %get3A_29 = vector.load %arg7[%get3A_27, %get3A_28] : memref<8x128xf32, #tpu.memory_space<vmem>>, vector<1x128xf32>
    %reduce_sum3A = arith.constant dense<0.000000e+00> : vector<128xf32>
    %reduce_sum3A_30 = vector.multi_reduction <add>, %add3A_22, %reduce_sum3A [0] : vector<8192x128xf32> to vector<128xf32>
    %broadcast_in_dim3A = vector.shape_cast %reduce_sum3A_30 : vector<128xf32> to vector<1x128xf32>
    %add3A_31 = arith.addf %get3A_29, %broadcast_in_dim3A : vector<1x128xf32>
    %swap3A = arith.constant 0 : index
    %swap3A_32 = arith.constant 0 : index
    %swap3A_33 = vector.load %arg7[%swap3A, %swap3A_32] : memref<8x128xf32, #tpu.memory_space<vmem>>, vector<1x128xf32>
    tpu.vector_store %arg7[%swap3A, %swap3A_32], %add3A_31 {strides = array<i32>} : memref<8x128xf32, #tpu.memory_space<vmem>>, vector<1x128xf32>,
    %get3A_34 = arith.constant 1 : index
    %get3A_35 = arith.constant 0 : index
    %get3A_36 = vector.load %arg7[%get3A_34, %get3A_35] : memref<8x128xf32, #tpu.memory_space<vmem>>, vector<1x128xf32>
    %mul3A_37 = arith.mulf %add3A_22, %add3A_22 : vector<8192x128xf32>
    %reduce_sum3A_38 = arith.constant dense<0.000000e+00> : vector<128xf32>
    %reduce_sum3A_39 = vector.multi_reduction <add>, %mul3A_37, %reduce_sum3A_38 [0] : vector<8192x128xf32> to vector<128xf32>
    %broadcast_in_dim3A_40 = vector.shape_cast %reduce_sum3A_39 : vector<128xf32> to vector<1x128xf32>
    %add3A_41 = arith.addf %get3A_36, %broadcast_in_dim3A_40 : vector<1x128xf32>
    %swap3A_42 = arith.constant 1 : index
    %swap3A_43 = arith.constant 0 : index
    %swap3A_44 = vector.load %arg7[%swap3A_42, %swap3A_43] : memref<8x128xf32, #tpu.memory_space<vmem>>, vector<1x128xf32>
    tpu.vector_store %arg7[%swap3A_42, %swap3A_43], %add3A_41 {strides = array<i32>} : memref<8x128xf32, #tpu.memory_space<vmem>>, vector<1x128xf32>,
    return
  }
  func.func @transform_0(%arg0: i32, %arg1: i32) -> (i32, i32, i32) {
    %c0_i32 = arith.constant 0 : i32
    %c0_i32_0 = arith.constant 0 : i32
    return %arg0, %arg1, %c0_i32 : i32, i32, i32
  }
  func.func @transform_1(%arg0: i32, %arg1: i32) -> (i32, i32) {
    %c0_i32 = arith.constant 0 : i32
    %c0_i32_0 = arith.constant 0 : i32
    %c0_i32_1 = arith.constant 0 : i32
    return %c0_i32, %c0_i32_0 : i32, i32
  }
  func.func @transform_2(%arg0: i32, %arg1: i32) -> (i32, i32) {
    %c0_i32 = arith.constant 0 : i32
    %c0_i32_0 = arith.constant 0 : i32
    %c0_i32_1 = arith.constant 0 : i32
    return %c0_i32, %c0_i32_0 : i32, i32
  }
  func.func @transform_3(%arg0: i32, %arg1: i32) -> (i32, i32) {
    %c0_i32 = arith.constant 0 : i32
    %c0_i32_0 = arith.constant 0 : i32
    %c0_i32_1 = arith.constant 0 : i32
    return %c0_i32, %c0_i32_0 : i32, i32
  }
  func.func @transform_4(%arg0: i32, %arg1: i32) -> (i32, i32) {
    %c0_i32 = arith.constant 0 : i32
    %c0_i32_0 = arith.constant 0 : i32
    %c0_i32_1 = arith.constant 0 : i32
    return %c0_i32, %c0_i32_0 : i32, i32
  }
  func.func @transform_5(%arg0: i32, %arg1: i32) -> (i32, i32) {
    %c0_i32 = arith.constant 0 : i32
    %c0_i32_0 = arith.constant 0 : i32
    %c0_i32_1 = arith.constant 0 : i32
    return %c0_i32, %c0_i32_0 : i32, i32
  }
}

module attributes {stable_mosaic.version = 14 : i64} {
  func.func @_final_body(%arg0: i32, %arg1: i32, %arg2: memref<1x8192x64xf32, #tpu.memory_space<vmem>>, %arg3: memref<64x128xf32, #tpu.memory_space<vmem>>, %arg4: memref<8x64xf32, #tpu.memory_space<vmem>>, %arg5: memref<8x64xf32, #tpu.memory_space<vmem>>, %arg6: memref<8x128xf32, #tpu.memory_space<vmem>>, %arg7: memref<8x128xf32, #tpu.memory_space<vmem>>, %arg8: memref<8x128xf32, #tpu.memory_space<vmem>>, %arg9: memref<1x256x128xf32, #tpu.memory_space<vmem>>) attributes {dimension_semantics = [#tpu.dimension_semantics<arbitrary>, #tpu.dimension_semantics<arbitrary>], iteration_bounds = array<i64: 8, 2>, scalar_prefetch = 0 : i64, scratch_operands = 0 : i64, tpu.core_type = #tpu.core_type<tc>, window_params = [{transform_indices = @transform_0, window_bounds = array<i64: 1, 8192, 64>}, {pipeline_mode = #tpu.pipeline_mode<synchronous>, transform_indices = @transform_1, window_bounds = array<i64: 64, 128>}, {pipeline_mode = #tpu.pipeline_mode<synchronous>, transform_indices = @transform_2, window_bounds = array<i64: 8, 64>}, {pipeline_mode = #tpu.pipeline_mode<synchronous>, transform_indices = @transform_3, window_bounds = array<i64: 8, 64>}, {pipeline_mode = #tpu.pipeline_mode<synchronous>, transform_indices = @transform_4, window_bounds = array<i64: 8, 128>}, {pipeline_mode = #tpu.pipeline_mode<synchronous>, transform_indices = @transform_5, window_bounds = array<i64: 8, 128>}, {pipeline_mode = #tpu.pipeline_mode<synchronous>, transform_indices = @transform_6, window_bounds = array<i64: 8, 128>}, {transform_indices = @transform_7, window_bounds = array<i64: 1, 256, 128>}]} {
    %get3A = arith.constant 0 : index
    %get3A_0 = arith.constant 0 : index
    %get3A_1 = arith.constant 0 : index
    %get3A_2 = vector.load %arg2[%get3A, %get3A_0, %get3A_1] : memref<1x8192x64xf32, #tpu.memory_space<vmem>>, vector<1x8192x64xf32>
    %get3A_3 = vector.shape_cast %get3A_2 : vector<1x8192x64xf32> to vector<8192x64xf32>
    %get3A_4 = arith.constant 0 : index
    %get3A_5 = arith.constant 0 : index
    %get3A_6 = vector.load %arg4[%get3A_4, %get3A_5] : memref<8x64xf32, #tpu.memory_space<vmem>>, vector<1x64xf32>
    %mul3A = vector.broadcast %get3A_6 : vector<1x64xf32> to vector<8192x64xf32>
    %mul3A_7 = arith.mulf %get3A_3, %mul3A : vector<8192x64xf32>
    %get3A_8 = arith.constant 0 : index
    %get3A_9 = arith.constant 0 : index
    %get3A_10 = vector.load %arg5[%get3A_8, %get3A_9] : memref<8x64xf32, #tpu.memory_space<vmem>>, vector<1x64xf32>
    %add3A = vector.broadcast %get3A_10 : vector<1x64xf32> to vector<8192x64xf32>
    %add3A_11 = arith.addf %mul3A_7, %add3A : vector<8192x64xf32>
    %max3A = arith.constant 0.000000e+00 : f32
    %max3A_12 = vector.broadcast %max3A : f32 to vector<8192x64xf32>
    %max3A_13 = arith.maximumf %add3A_11, %max3A_12 : vector<8192x64xf32>
    %get3A_14 = arith.constant 0 : index
    %get3A_15 = arith.constant 0 : index
    %get3A_16 = vector.load %arg3[%get3A_14, %get3A_15] : memref<64x128xf32, #tpu.memory_space<vmem>>, vector<64x128xf32>
    %dot_general3A = arith.constant dense<0.000000e+00> : vector<8192x128xf32>
    %dot_general3A_17 = tpu.matmul %max3A_13, %get3A_16, %dot_general3A {dimension_numbers = #tpu.dot_dimension_numbers<[1], [0], [0], [1], [0, 0, 1, 1], [], []>, transpose_lhs_hint = false} : vector<8192x64xf32>, vector<64x128xf32>, vector<8192x128xf32> -> vector<8192x128xf32>
    %get3A_18 = arith.constant 0 : index
    %get3A_19 = arith.constant 0 : index
    %get3A_20 = vector.load %arg6[%get3A_18, %get3A_19] : memref<8x128xf32, #tpu.memory_space<vmem>>, vector<1x128xf32>
    %add3A_21 = vector.broadcast %get3A_20 : vector<1x128xf32> to vector<8192x128xf32>
    %add3A_22 = arith.addf %dot_general3A_17, %add3A_21 : vector<8192x128xf32>
    %get3A_23 = arith.constant 0 : index
    %get3A_24 = arith.constant 0 : index
    %get3A_25 = vector.load %arg7[%get3A_23, %get3A_24] : memref<8x128xf32, #tpu.memory_space<vmem>>, vector<1x128xf32>
    %mul3A_26 = vector.broadcast %get3A_25 : vector<1x128xf32> to vector<8192x128xf32>
    %mul3A_27 = arith.mulf %add3A_22, %mul3A_26 : vector<8192x128xf32>
    %get3A_28 = arith.constant 0 : index
    %get3A_29 = arith.constant 0 : index
    %get3A_30 = vector.load %arg8[%get3A_28, %get3A_29] : memref<8x128xf32, #tpu.memory_space<vmem>>, vector<1x128xf32>
    %add3A_31 = vector.broadcast %get3A_30 : vector<1x128xf32> to vector<8192x128xf32>
    %add3A_32 = arith.addf %mul3A_27, %add3A_31 : vector<8192x128xf32>
    %max3A_33 = arith.constant 0.000000e+00 : f32
    %max3A_34 = vector.broadcast %max3A_33 : f32 to vector<8192x128xf32>
    %max3A_35 = arith.maximumf %add3A_32, %max3A_34 : vector<8192x128xf32>
    %reshape3A = vector.shape_cast %max3A_35 : vector<8192x128xf32> to vector<256x32x128xf32>
    %slice3A = vector.extract_strided_slice %reshape3A {offsets = [0, 0, 0], sizes = [256, 1, 128], strides = [1, 1, 1]} : vector<256x32x128xf32> to vector<256x1x128xf32>
    %squeeze3A = vector.shape_cast %slice3A : vector<256x1x128xf32> to vector<256x128xf32>
    %slice3A_36 = vector.extract_strided_slice %reshape3A {offsets = [0, 1, 0], sizes = [256, 1, 128], strides = [1, 1, 1]} : vector<256x32x128xf32> to vector<256x1x128xf32>
    %squeeze3A_37 = vector.shape_cast %slice3A_36 : vector<256x1x128xf32> to vector<256x128xf32>
    %max3A_38 = arith.maximumf %squeeze3A, %squeeze3A_37 : vector<256x128xf32>
    %slice3A_39 = vector.extract_strided_slice %reshape3A {offsets = [0, 2, 0], sizes = [256, 1, 128], strides = [1, 1, 1]} : vector<256x32x128xf32> to vector<256x1x128xf32>
    %squeeze3A_40 = vector.shape_cast %slice3A_39 : vector<256x1x128xf32> to vector<256x128xf32>
    %max3A_41 = arith.maximumf %max3A_38, %squeeze3A_40 : vector<256x128xf32>
    %slice3A_42 = vector.extract_strided_slice %reshape3A {offsets = [0, 3, 0], sizes = [256, 1, 128], strides = [1, 1, 1]} : vector<256x32x128xf32> to vector<256x1x128xf32>
    %squeeze3A_43 = vector.shape_cast %slice3A_42 : vector<256x1x128xf32> to vector<256x128xf32>
    %max3A_44 = arith.maximumf %max3A_41, %squeeze3A_43 : vector<256x128xf32>
    %slice3A_45 = vector.extract_strided_slice %reshape3A {offsets = [0, 4, 0], sizes = [256, 1, 128], strides = [1, 1, 1]} : vector<256x32x128xf32> to vector<256x1x128xf32>
    %squeeze3A_46 = vector.shape_cast %slice3A_45 : vector<256x1x128xf32> to vector<256x128xf32>
    %max3A_47 = arith.maximumf %max3A_44, %squeeze3A_46 : vector<256x128xf32>
    %slice3A_48 = vector.extract_strided_slice %reshape3A {offsets = [0, 5, 0], sizes = [256, 1, 128], strides = [1, 1, 1]} : vector<256x32x128xf32> to vector<256x1x128xf32>
    %squeeze3A_49 = vector.shape_cast %slice3A_48 : vector<256x1x128xf32> to vector<256x128xf32>
    %max3A_50 = arith.maximumf %max3A_47, %squeeze3A_49 : vector<256x128xf32>
    %slice3A_51 = vector.extract_strided_slice %reshape3A {offsets = [0, 6, 0], sizes = [256, 1, 128], strides = [1, 1, 1]} : vector<256x32x128xf32> to vector<256x1x128xf32>
    %squeeze3A_52 = vector.shape_cast %slice3A_51 : vector<256x1x128xf32> to vector<256x128xf32>
    %max3A_53 = arith.maximumf %max3A_50, %squeeze3A_52 : vector<256x128xf32>
    %slice3A_54 = vector.extract_strided_slice %reshape3A {offsets = [0, 7, 0], sizes = [256, 1, 128], strides = [1, 1, 1]} : vector<256x32x128xf32> to vector<256x1x128xf32>
    %squeeze3A_55 = vector.shape_cast %slice3A_54 : vector<256x1x128xf32> to vector<256x128xf32>
    %max3A_56 = arith.maximumf %max3A_53, %squeeze3A_55 : vector<256x128xf32>
    %slice3A_57 = vector.extract_strided_slice %reshape3A {offsets = [0, 8, 0], sizes = [256, 1, 128], strides = [1, 1, 1]} : vector<256x32x128xf32> to vector<256x1x128xf32>
    %squeeze3A_58 = vector.shape_cast %slice3A_57 : vector<256x1x128xf32> to vector<256x128xf32>
    %max3A_59 = arith.maximumf %max3A_56, %squeeze3A_58 : vector<256x128xf32>
    %slice3A_60 = vector.extract_strided_slice %reshape3A {offsets = [0, 9, 0], sizes = [256, 1, 128], strides = [1, 1, 1]} : vector<256x32x128xf32> to vector<256x1x128xf32>
    %squeeze3A_61 = vector.shape_cast %slice3A_60 : vector<256x1x128xf32> to vector<256x128xf32>
    %max3A_62 = arith.maximumf %max3A_59, %squeeze3A_61 : vector<256x128xf32>
    %slice3A_63 = vector.extract_strided_slice %reshape3A {offsets = [0, 10, 0], sizes = [256, 1, 128], strides = [1, 1, 1]} : vector<256x32x128xf32> to vector<256x1x128xf32>
    %squeeze3A_64 = vector.shape_cast %slice3A_63 : vector<256x1x128xf32> to vector<256x128xf32>
    %max3A_65 = arith.maximumf %max3A_62, %squeeze3A_64 : vector<256x128xf32>
    %slice3A_66 = vector.extract_strided_slice %reshape3A {offsets = [0, 11, 0], sizes = [256, 1, 128], strides = [1, 1, 1]} : vector<256x32x128xf32> to vector<256x1x128xf32>
    %squeeze3A_67 = vector.shape_cast %slice3A_66 : vector<256x1x128xf32> to vector<256x128xf32>
    %max3A_68 = arith.maximumf %max3A_65, %squeeze3A_67 : vector<256x128xf32>
    %slice3A_69 = vector.extract_strided_slice %reshape3A {offsets = [0, 12, 0], sizes = [256, 1, 128], strides = [1, 1, 1]} : vector<256x32x128xf32> to vector<256x1x128xf32>
    %squeeze3A_70 = vector.shape_cast %slice3A_69 : vector<256x1x128xf32> to vector<256x128xf32>
    %max3A_71 = arith.maximumf %max3A_68, %squeeze3A_70 : vector<256x128xf32>
    %slice3A_72 = vector.extract_strided_slice %reshape3A {offsets = [0, 13, 0], sizes = [256, 1, 128], strides = [1, 1, 1]} : vector<256x32x128xf32> to vector<256x1x128xf32>
    %squeeze3A_73 = vector.shape_cast %slice3A_72 : vector<256x1x128xf32> to vector<256x128xf32>
    %max3A_74 = arith.maximumf %max3A_71, %squeeze3A_73 : vector<256x128xf32>
    %slice3A_75 = vector.extract_strided_slice %reshape3A {offsets = [0, 14, 0], sizes = [256, 1, 128], strides = [1, 1, 1]} : vector<256x32x128xf32> to vector<256x1x128xf32>
    %squeeze3A_76 = vector.shape_cast %slice3A_75 : vector<256x1x128xf32> to vector<256x128xf32>
    %max3A_77 = arith.maximumf %max3A_74, %squeeze3A_76 : vector<256x128xf32>
    %slice3A_78 = vector.extract_strided_slice %reshape3A {offsets = [0, 15, 0], sizes = [256, 1, 128], strides = [1, 1, 1]} : vector<256x32x128xf32> to vector<256x1x128xf32>
    %squeeze3A_79 = vector.shape_cast %slice3A_78 : vector<256x1x128xf32> to vector<256x128xf32>
    %max3A_80 = arith.maximumf %max3A_77, %squeeze3A_79 : vector<256x128xf32>
    %slice3A_81 = vector.extract_strided_slice %reshape3A {offsets = [0, 16, 0], sizes = [256, 1, 128], strides = [1, 1, 1]} : vector<256x32x128xf32> to vector<256x1x128xf32>
    %squeeze3A_82 = vector.shape_cast %slice3A_81 : vector<256x1x128xf32> to vector<256x128xf32>
    %max3A_83 = arith.maximumf %max3A_80, %squeeze3A_82 : vector<256x128xf32>
    %slice3A_84 = vector.extract_strided_slice %reshape3A {offsets = [0, 17, 0], sizes = [256, 1, 128], strides = [1, 1, 1]} : vector<256x32x128xf32> to vector<256x1x128xf32>
    %squeeze3A_85 = vector.shape_cast %slice3A_84 : vector<256x1x128xf32> to vector<256x128xf32>
    %max3A_86 = arith.maximumf %max3A_83, %squeeze3A_85 : vector<256x128xf32>
    %slice3A_87 = vector.extract_strided_slice %reshape3A {offsets = [0, 18, 0], sizes = [256, 1, 128], strides = [1, 1, 1]} : vector<256x32x128xf32> to vector<256x1x128xf32>
    %squeeze3A_88 = vector.shape_cast %slice3A_87 : vector<256x1x128xf32> to vector<256x128xf32>
    %max3A_89 = arith.maximumf %max3A_86, %squeeze3A_88 : vector<256x128xf32>
    %slice3A_90 = vector.extract_strided_slice %reshape3A {offsets = [0, 19, 0], sizes = [256, 1, 128], strides = [1, 1, 1]} : vector<256x32x128xf32> to vector<256x1x128xf32>
    %squeeze3A_91 = vector.shape_cast %slice3A_90 : vector<256x1x128xf32> to vector<256x128xf32>
    %max3A_92 = arith.maximumf %max3A_89, %squeeze3A_91 : vector<256x128xf32>
    %slice3A_93 = vector.extract_strided_slice %reshape3A {offsets = [0, 20, 0], sizes = [256, 1, 128], strides = [1, 1, 1]} : vector<256x32x128xf32> to vector<256x1x128xf32>
    %squeeze3A_94 = vector.shape_cast %slice3A_93 : vector<256x1x128xf32> to vector<256x128xf32>
    %max3A_95 = arith.maximumf %max3A_92, %squeeze3A_94 : vector<256x128xf32>
    %slice3A_96 = vector.extract_strided_slice %reshape3A {offsets = [0, 21, 0], sizes = [256, 1, 128], strides = [1, 1, 1]} : vector<256x32x128xf32> to vector<256x1x128xf32>
    %squeeze3A_97 = vector.shape_cast %slice3A_96 : vector<256x1x128xf32> to vector<256x128xf32>
    %max3A_98 = arith.maximumf %max3A_95, %squeeze3A_97 : vector<256x128xf32>
    %slice3A_99 = vector.extract_strided_slice %reshape3A {offsets = [0, 22, 0], sizes = [256, 1, 128], strides = [1, 1, 1]} : vector<256x32x128xf32> to vector<256x1x128xf32>
    %squeeze3A_100 = vector.shape_cast %slice3A_99 : vector<256x1x128xf32> to vector<256x128xf32>
    %max3A_101 = arith.maximumf %max3A_98, %squeeze3A_100 : vector<256x128xf32>
    %slice3A_102 = vector.extract_strided_slice %reshape3A {offsets = [0, 23, 0], sizes = [256, 1, 128], strides = [1, 1, 1]} : vector<256x32x128xf32> to vector<256x1x128xf32>
    %squeeze3A_103 = vector.shape_cast %slice3A_102 : vector<256x1x128xf32> to vector<256x128xf32>
    %max3A_104 = arith.maximumf %max3A_101, %squeeze3A_103 : vector<256x128xf32>
    %slice3A_105 = vector.extract_strided_slice %reshape3A {offsets = [0, 24, 0], sizes = [256, 1, 128], strides = [1, 1, 1]} : vector<256x32x128xf32> to vector<256x1x128xf32>
    %squeeze3A_106 = vector.shape_cast %slice3A_105 : vector<256x1x128xf32> to vector<256x128xf32>
    %max3A_107 = arith.maximumf %max3A_104, %squeeze3A_106 : vector<256x128xf32>
    %slice3A_108 = vector.extract_strided_slice %reshape3A {offsets = [0, 25, 0], sizes = [256, 1, 128], strides = [1, 1, 1]} : vector<256x32x128xf32> to vector<256x1x128xf32>
    %squeeze3A_109 = vector.shape_cast %slice3A_108 : vector<256x1x128xf32> to vector<256x128xf32>
    %max3A_110 = arith.maximumf %max3A_107, %squeeze3A_109 : vector<256x128xf32>
    %slice3A_111 = vector.extract_strided_slice %reshape3A {offsets = [0, 26, 0], sizes = [256, 1, 128], strides = [1, 1, 1]} : vector<256x32x128xf32> to vector<256x1x128xf32>
    %squeeze3A_112 = vector.shape_cast %slice3A_111 : vector<256x1x128xf32> to vector<256x128xf32>
    %max3A_113 = arith.maximumf %max3A_110, %squeeze3A_112 : vector<256x128xf32>
    %slice3A_114 = vector.extract_strided_slice %reshape3A {offsets = [0, 27, 0], sizes = [256, 1, 128], strides = [1, 1, 1]} : vector<256x32x128xf32> to vector<256x1x128xf32>
    %squeeze3A_115 = vector.shape_cast %slice3A_114 : vector<256x1x128xf32> to vector<256x128xf32>
    %max3A_116 = arith.maximumf %max3A_113, %squeeze3A_115 : vector<256x128xf32>
    %slice3A_117 = vector.extract_strided_slice %reshape3A {offsets = [0, 28, 0], sizes = [256, 1, 128], strides = [1, 1, 1]} : vector<256x32x128xf32> to vector<256x1x128xf32>
    %squeeze3A_118 = vector.shape_cast %slice3A_117 : vector<256x1x128xf32> to vector<256x128xf32>
    %max3A_119 = arith.maximumf %max3A_116, %squeeze3A_118 : vector<256x128xf32>
    %slice3A_120 = vector.extract_strided_slice %reshape3A {offsets = [0, 29, 0], sizes = [256, 1, 128], strides = [1, 1, 1]} : vector<256x32x128xf32> to vector<256x1x128xf32>
    %squeeze3A_121 = vector.shape_cast %slice3A_120 : vector<256x1x128xf32> to vector<256x128xf32>
    %max3A_122 = arith.maximumf %max3A_119, %squeeze3A_121 : vector<256x128xf32>
    %slice3A_123 = vector.extract_strided_slice %reshape3A {offsets = [0, 30, 0], sizes = [256, 1, 128], strides = [1, 1, 1]} : vector<256x32x128xf32> to vector<256x1x128xf32>
    %squeeze3A_124 = vector.shape_cast %slice3A_123 : vector<256x1x128xf32> to vector<256x128xf32>
    %max3A_125 = arith.maximumf %max3A_122, %squeeze3A_124 : vector<256x128xf32>
    %slice3A_126 = vector.extract_strided_slice %reshape3A {offsets = [0, 31, 0], sizes = [256, 1, 128], strides = [1, 1, 1]} : vector<256x32x128xf32> to vector<256x1x128xf32>
    %squeeze3A_127 = vector.shape_cast %slice3A_126 : vector<256x1x128xf32> to vector<256x128xf32>
    %max3A_128 = arith.maximumf %max3A_125, %squeeze3A_127 : vector<256x128xf32>
    %swap3A = arith.constant 0 : index
    %swap3A_129 = arith.constant 0 : index
    %swap3A_130 = arith.constant 0 : index
    %swap3A_131 = vector.load %arg9[%swap3A, %swap3A_129, %swap3A_130] : memref<1x256x128xf32, #tpu.memory_space<vmem>>, vector<1x256x128xf32>
    %swap3A_132 = vector.shape_cast %swap3A_131 : vector<1x256x128xf32> to vector<256x128xf32>
    %swap3A_133 = vector.shape_cast %max3A_128 : vector<256x128xf32> to vector<1x256x128xf32>
    tpu.vector_store %arg9[%swap3A, %swap3A_129, %swap3A_130], %swap3A_133 {strides = array<i32>} : memref<1x256x128xf32, #tpu.memory_space<vmem>>, vector<1x256x128xf32>,
    return
  }
  func.func @transform_0(%arg0: i32, %arg1: i32) -> (i32, i32, i32) {
    %c0_i32 = arith.constant 0 : i32
    %c0_i32_0 = arith.constant 0 : i32
    return %arg0, %arg1, %c0_i32 : i32, i32, i32
  }
  func.func @transform_1(%arg0: i32, %arg1: i32) -> (i32, i32) {
    %c0_i32 = arith.constant 0 : i32
    %c0_i32_0 = arith.constant 0 : i32
    %c0_i32_1 = arith.constant 0 : i32
    return %c0_i32, %c0_i32_0 : i32, i32
  }
  func.func @transform_2(%arg0: i32, %arg1: i32) -> (i32, i32) {
    %c0_i32 = arith.constant 0 : i32
    %c0_i32_0 = arith.constant 0 : i32
    %c0_i32_1 = arith.constant 0 : i32
    return %c0_i32, %c0_i32_0 : i32, i32
  }
  func.func @transform_3(%arg0: i32, %arg1: i32) -> (i32, i32) {
    %c0_i32 = arith.constant 0 : i32
    %c0_i32_0 = arith.constant 0 : i32
    %c0_i32_1 = arith.constant 0 : i32
    return %c0_i32, %c0_i32_0 : i32, i32
  }
  func.func @transform_4(%arg0: i32, %arg1: i32) -> (i32, i32) {
    %c0_i32 = arith.constant 0 : i32
    %c0_i32_0 = arith.constant 0 : i32
    %c0_i32_1 = arith.constant 0 : i32
    return %c0_i32, %c0_i32_0 : i32, i32
  }
  func.func @transform_5(%arg0: i32, %arg1: i32) -> (i32, i32) {
    %c0_i32 = arith.constant 0 : i32
    %c0_i32_0 = arith.constant 0 : i32
    %c0_i32_1 = arith.constant 0 : i32
    return %c0_i32, %c0_i32_0 : i32, i32
  }
  func.func @transform_6(%arg0: i32, %arg1: i32) -> (i32, i32) {
    %c0_i32 = arith.constant 0 : i32
    %c0_i32_0 = arith.constant 0 : i32
    %c0_i32_1 = arith.constant 0 : i32
    return %c0_i32, %c0_i32_0 : i32, i32
  }
  func.func @transform_7(%arg0: i32, %arg1: i32) -> (i32, i32, i32) {
    %c0_i32 = arith.constant 0 : i32
    %c0_i32_0 = arith.constant 0 : i32
    return %arg0, %arg1, %c0_i32 : i32, i32, i32
  }
}

</mosaic_0001>

<sc_bundles>
// kernel: kernel.8.cloned.1.call-start
scs
__scs_entry_jumppad:
0x0: {  	(pc) =	sbr.rel $0x88, $3  }
0x1: {  	(tag) =	ssettag $0x0;
	lr =	simm.s32 $0x1  }
0x2: {  	[smem:$0x3F93] =	sst lr;
	_ =	strace $0xD0000000  }
0x3: {  	_ = 	snop  }
0x4: {  	_ = 	snop  }
0x5: {  	_ = 	snop  }
0x6: {  	_ = 	snop  }
0x7: {  	_ = 	snop  }
__scs_overlays_trampoline_lowered:
0x8: {  	[smem:$0x3FA2] =	sst s0  }
0x9: {  	[smem:$0x3FA3] =	sst s1  }
0xa: {  	[smem:$0x3FA4] =	sst s2  }
0xb: {  	[smem:$0x3FA5] =	sst s3  }
0xc: {  	[smem:$0x3FA6] =	sst s4  }
0xd: {  	[smem:$0x3FA7] =	sst s5  }
0xe: {  	[smem:$0x3FA8] =	sst s6  }
0xf: {  	[smem:$0x3FA9] =	sst s7  }
0x10: {  	[smem:$0x3FAA] =	sst s8  }
0x11: {  	[smem:$0x3FAB] =	sst s9;
	s0 =	simm.s32 @!p0 $0x0  }
0x12: {  	s1 =	sld [smem:$0x3F91];
	s0 =	simm.s32 @p0 $0x1  }
0x13: {  	[smem:$0x3FAC] =	sst s0;
	s0 =	simm.s32 @!p1 $0x0  }
0x14: {  	s2 =	sld [smem:$0x3F90];
	s0 =	simm.s32 @p1 $0x1  }
0x15: {  	[smem:$0x3FAD] =	sst s0;
	s0 =	simm.s32 @!p2 $0x0  }
0x16: {  	s3 =	sld [smem:$0x3FDB];
	s0 =	simm.s32 @p2 $0x1  }
0x17: {  	s4 =	simm.s32 $0x1BF5;
	[smem:$0x3FAF] =	sst s0  }
0x18: {  	s0 =	sld [smem:$0x3F92];
	_ =	swait.ge [sflag:s4], $0x0  }
0x19: {  	s7 =	sld [smem:$0x3F93]  }
0x1a: {  	s8 =	sadd.s32 $0xFFFFE003, lr  }
0x1b: {  	s9 =	sadd.s32 $0xFFFFFEF7, lr;
	s5 =	simm.s32 $0xFFFFFFFF;
	p2 =	slt.u32 s8, $0xFFFFF086  }
0x1c: {  	p1 =	slt.u32 s9, $0xF7A;
	s5 =	simm.s32 @!p2 $0x0  }
0x1d: {  	s5 =	simm.s32 @p1 $0x1;
	p0 =	seq.s32 s7, s2  }
0x1e: {  	s7 =	smul.u32 @!p0 $0xF7A, s2;
	p2 =	seq.s32 @!p0 s5, $0x0  }
0x1f: {  	s9 =	smul.u32 $0xF7A, s1;
	s8 =	simm.s32 @!p0 $0x1BF5;
	p2 =	por !p2, p0  }
0x20: {  	[sflag:s8] =	ssyncset.s32 @!p0 $0xFFFFF086;
	s6 =	sadd.s32 @!p0 s3, s7;
	s7 =	simm.s32 @!p0 $0x108  }
0x21: {  	s3 =	sadd.s32 s3, s9;
	s6 =	sadd.s32 @!p0 $0x88, s6;
	s7 =	simm.s32 @p2 $0x1082  }
0x22: {  	[simem:s7], [sflag:s8] =	dma.local @!p0 [hbm:s6], $0xF7A  }
0x23: {  	s9 =	sor.u32 $0xD0000000, s2;
	s6 =	simm.s32 $0x108;
	_ =	swait.ge @!p0 [sflag:s8], $0x0  }
0x24: {  	s3 =	sadd.s32 $0x88, s3;
	s6 =	simm.s32 @!p1 $0x1082;
	[sflag:s4] =	ssyncset.s32 $0xFFFFF086  }
0x25: {  	[simem:s6], [sflag:s4] =	dma.local [hbm:s3], $0xF7A  }
0x26: {  	[smem:$0x3F93] =	sst s1;
	(tag) =	ssettag s2;
	_ =	strace s9  }
0x27: {  	s1 =	sld [smem:$0x3FA3]  }
0x28: {  	s2 =	sld [smem:$0x3FA4]  }
0x29: {  	s4 =	sld [smem:$0x3FA6]  }
0x2a: {  	p0 =	seq.s32 s5, $0x0;
	s5 =	sld [smem:$0x3FA7]  }
0x2b: {  	s6 =	sld [smem:$0x3FA8]  }
0x2c: {  	s7 =	sld [smem:$0x3FA9]  }
0x2d: {  	s3 =	simm.s32 $0x108;
	s8 =	sld [smem:$0x3FAA]  }
0x2e: {  	s3 =	simm.s32 @!p0 $0x1082;
	s9 =	sld [smem:$0x3FAB]  }
0x2f: {  	lr =	sadd.s32 s0, s3;
	s0 =	sld [smem:$0x3FA2]  }
0x30: {  	s3 =	sld [smem:$0x3FA5]  }
0x31: {  	[smem:$0x3FAE] =	sst s10  }
0x32: {  	s10 =	sld [smem:$0x3FAC];
	_ =	sdelay $0x3  }
0x33: {  	p0 =	seq.s32 s10, $0x1;
	s10 =	sld [smem:$0x3FAE];
	_ =	sdelay $0x3  }
0x34: {  	[smem:$0x3FAE] =	sst s10  }
0x35: {  	s10 =	sld [smem:$0x3FAD];
	_ =	sdelay $0x3  }
0x36: {  	p1 =	seq.s32 s10, $0x1;
	s10 =	sld [smem:$0x3FAE];
	_ =	sdelay $0x3  }
0x37: {  	[smem:$0x3FAE] =	sst s10  }
0x38: {  	s10 =	sld [smem:$0x3FAF]  }
0x39: {  	_ = 	snop;
	(pc) =	sbr.ind lr, $3  }
0x3a: {  	_ = 	snop  }
0x3b: {  	_ = 	snop  }
0x3c: {  	p2 =	seq.s32 s10, $0x1;
	s10 =	sld [smem:$0x3FAE]  }
0x3d: {  	_ =	shalt  }
0x3e: {  	_ =	shalt  }
0x3f: {  	_ =	shalt  }
0x40: {  	_ =	shalt  }
0x41: {  	_ =	shalt  }
0x42: {  	_ =	shalt  }
0x43: {  	_ =	shalt  }
0x44: {  	_ =	shalt  }
0x45: {  	_ =	shalt  }
0x46: {  	_ =	shalt  }
0x47: {  	_ =	shalt  }
0x48: {  	_ =	shalt  }
0x49: {  	_ =	shalt  }
0x4a: {  	_ =	shalt  }
0x4b: {  	_ =	shalt  }
0x4c: {  	_ =	shalt  }
0x4d: {  	_ =	shalt  }
0x4e: {  	_ =	shalt  }
0x4f: {  	_ =	shalt  }
0x50: {  	_ =	shalt  }
0x51: {  	_ =	shalt  }
0x52: {  	_ =	shalt  }
0x53: {  	_ =	shalt  }
0x54: {  	_ =	shalt  }
0x55: {  	_ =	shalt  }
0x56: {  	_ =	shalt  }
0x57: {  	_ =	shalt  }
0x58: {  	_ =	shalt  }
0x59: {  	_ =	shalt  }
0x5a: {  	_ =	shalt  }
0x5b: {  	_ =	shalt  }
0x5c: {  	_ =	shalt  }
0x5d: {  	_ =	shalt  }
0x5e: {  	_ =	shalt  }
0x5f: {  	_ =	shalt  }
0x60: {  	_ =	shalt  }
0x61: {  	_ =	shalt  }
0x62: {  	_ =	shalt  }
0x63: {  	_ =	shalt  }
0x64: {  	_ =	shalt  }
0x65: {  	_ =	shalt  }
0x66: {  	_ =	shalt  }
0x67: {  	_ =	shalt  }
0x68: {  	_ =	shalt  }
0x69: {  	_ =	shalt  }
0x6a: {  	_ =	shalt  }
0x6b: {  	_ =	shalt  }
0x6c: {  	_ =	shalt  }
0x6d: {  	_ =	shalt  }
0x6e: {  	_ =	shalt  }
0x6f: {  	_ =	shalt  }
0x70: {  	_ =	shalt  }
0x71: {  	_ =	shalt  }
0x72: {  	_ =	shalt  }
0x73: {  	_ =	shalt  }
0x74: {  	_ =	shalt  }
0x75: {  	_ =	shalt  }
0x76: {  	_ =	shalt  }
0x77: {  	_ =	shalt  }
0x78: {  	_ =	shalt  }
0x79: {  	_ =	shalt  }
0x7a: {  	_ =	shalt  }
0x7b: {  	_ =	shalt  }
0x7c: {  	_ =	shalt  }
0x7d: {  	_ =	shalt  }
0x7e: {  	_ =	shalt  }
0x7f: {  	_ =	shalt  }
0x80: {  	_ =	shalt  }
0x81: {  	_ =	shalt  }
0x82: {  	_ =	shalt  }
0x83: {  	_ =	shalt  }
0x84: {  	_ =	shalt  }
0x85: {  	_ =	shalt  }
0x86: {  	_ =	shalt  }
0x87: {  	_ =	shalt  }
.Lfunc_end0:
.L_simem_size_0:
called_computation_lowered:
.L_overlay_start_0:
0x88: {  	s2 =	sld [smem:$0x3FD9]  }
0x89: {  	s3 =	sld [smem:$0x3FFE];
	_ =	sdelay $0x1  }
0x8a: {  	s1 =	srdreg.scid  }
0x8b: {  	s0 =	sand.u32 $0x1, s1  }
0x8c: {  	s14 =	sshll.u32 s0, $0xA;
	s2 =	sadd.s32 s3, s2  }
0x8d: {  	s2 =	sadd.s32 s2, s14  }
0x8e: {  	[smem:$0x3FBA] =	sst s2  }
0x8f: {  	_ = 	snop  }
0x90: {  	s2 =	sld [smem:$0x3FD0];
	_ =	sdelay $0x2  }
0x91: {  	s15 =	simm.s32 $0xA;
	s4 =	simm.s32 $0x10  }
0x92: {  	[smem:s4], [sflag:s15] =	dma.local [hbm:s2], $0x1  }
0x93: {  	_ =	swait.eq [sflag:s15], $0x1  }
0x94: {  	[sflag:s15] =	ssyncset.done $0x0  }
0x95: {  	[sflag:s15] =	ssyncadd.s32 $0xFFFFFFFF  }
0x96: {  	s16 =	sld [smem:$0x11];
	(tm) =	ssettm $0x1  }
0x97: {  	s17 =	sld [smem:$0x3FFB];
	_ =	sdelay $0x3  }
0x98: {  	_ =	strace s17  }
0x99: {  	s3 =	sld [smem:$0x3FFC];
	_ =	sdelay $0x3  }
0x9a: {  	_ =	strace s3  }
0x9b: {  	s3 =	sld [smem:$0x3FFD];
	_ =	sdelay $0x3  }
0x9c: {  	_ =	strace s3  }
0x9d: {  	_ =	strace $0x8FFFFFFF  }
0x9e: {  	s18 =	sld [smem:$0x3FDB];
	_ =	sdelay $0x1  }
0x9f: {  	s19 =	simm.s32 $_scs_section_size  }
0xa0: {  	s5 =	simm.s32 $_size__tile_overlayer_lowered;
	s6 =	simm.s32 $_tile_overlayer_lowered  }
0xa1: {  	s22 =	simm.s32 $0x1BFF;
	s21 =	sshll.u32 s6, $0x1;
	s3 =	sadd.s32 s19, s18  }
0xa2: {  	s7 =	simm.s32 $0x0;
	s20 =	sshll.u32 s5, $0x1;
	s5 =	sadd.s32 s21, s3  }
0xa3: {  	[timem:s7], [sflag:s22] =	dma.local [hbm:s5], s20  }
0xa4: {  	_ =	swait.ge [sflag:s22], s20  }
0xa5: {  	s4 =	ssub.s32 $0x0, s20;
	[sflag:s22] =	ssyncset.done $0x0  }
0xa6: {  	[sflag:s22] =	ssyncadd.s32 s4;
	_ =	sdelay $0x1  }
0xa7: {  	s23 =	simm.s32 $0x1B8B  }
0xa8: {  	_ =	swait.ge [sflag:s23], $0x1  }
0xa9: {  	[sflag:s23] =	ssyncset.done $0x0  }
0xaa: {  	s25 =	simm.s32 $0x1B8E;
	s24 =	sld [smem:$0x3FFE];
	[sflag:s23] =	ssyncadd.s32 $0xFFFFFFFF  }
0xab: {  	s26 =	simm.s32 $execute0_lowered;
	[smem:$0x3FD2] =	sst s25  }
0xac: {  	s5 =	sshll.u32 s26, $0x1;
	_ =	strace $0x80000046;
	[dreg:$0x1] =	wrdreg $0xFFFFFFFF  }
0xad: {  	s28 =	simm.s32 $_size_execute0_lowered;
	s3 =	sadd.s32 s3, s5;
	[dreg:$0x0] =	wrdreg $0x0  }
0xae: {  	s5 =	sshll.u32 s28, $0x1;
	[dreg:$0x2] =	wrdreg s3  }
0xaf: {  	[dreg:$0x3] =	wrdreg s5  }
0xb0: {  	[dreg:$0x4] =	wrdreg $0xC0  }
0xb1: {  	_ =	task [dreg:s7], $0x5FFFF  }
0xb2: {  	[dreg:$0x1] =	wrdreg $0xFFFFFFFF  }
0xb3: {  	[dreg:$0x0] =	wrdreg $0x60  }
0xb4: {  	[dreg:$0x2] =	wrdreg s16  }
0xb5: {  	[dreg:$0x3] =	wrdreg s24  }
0xb6: {  	[dreg:$0x4] =	wrdreg $0x9  }
0xb7: {  	_ =	task.clear_ibuf [dreg:s7], $0x5FFFF;
	_ =	strace $0x90000046  }
0xb8: {  	s29 =	simm.s32 $0x9;
	_ =	strace $0x80000048  }
0xb9: {  	_ =	swait.ge [sflag:s29], $0x1  }
0xba: {  	[sflag:s29] =	ssyncadd.s32 $0xFFFFFFFF  }
0xbb: {  	_ =	strace $0x90000048  }
0xbc: {  	_ =	sfence  }
0xbd: {  	s30 =	sld [smem:$0x0];
	_ =	sdelay $0x2  }
0xbe: {  	s31 =	sshll.u32 s1, $0xD;
	s1 =	sshrl.u32 s1, $0x2  }
0xbf: {  	s3 =	sand.u32 $0x4000, s31;
	s1 =	sadd.s32 s1, s30  }
0xc0: {  	s0 =	sor.u32 s3, s0;
	s1 =	sshll.u32 s1, $0x11  }
0xc1: {  	s0 =	sor.u32 s1, s0  }
0xc2: {  	s0 =	sadd.s32 $0x8F2B, s0  }
0xc3: {  	[sflag:s0] =	ssyncadd.remote.s32 $0x1  }
0xc4: {  	_ =	sfence.sel $0xFFFF  }
0xc5: {  	[dreg:$0x0] =	wrdreg $0xFFFFFFFF;
	(pc) =	sbr.abs _section_cstart, $3  }
0xc6: {  	[dreg:$0x1] =	wrdreg $0xFFFFFFFF  }
0xc7: {  	_ =	task.clear_ibuf [dreg:s7], $0x2FFFF;
	_ =	strace $0x9FFFFFFF  }
0xc8: {  	(tm) =	ssettm $0x7FFFFFFF  }
0xc9: {  	_ =	shalt  }
tec
execute0_lowered:
.L_overlay_start_1:
0x0: {  	(tag) =	ssettag $0x1  }
0x1: {  	s0 =	rddreg [dreg:$0x0]  }
0x2: {  	s2 =	rddreg [dreg:$0x1];
	s1 =	simm.s32 $0x0;
	s15 =	stileid.u32  }
0x3: {  	s3 =	srdreg.scid;
	[smem:$0x7FF] =	sst s1  }
0x4: {  	v0 =	vimm.f32 $1.000000000e+00;
	s28 =	simm.s32 $0x9400;
	s29 =	simm.s32 $0x80;
	_ =	strace $0x80000047  }
0x5: {  	s31 =	simm.s32 $0x11400;
	s4 =	sshll.u32 s15, $0x1;
	s5 =	sand.u32 $0x1, s3;
	(xrf0) =	vmax.scan.msk.f32 $0xffff, v0  }
0x6: {  	s23 =	sadd.s32 $0x3600, s2;
	s21 =	sand.u32 $0x2, s4;
	s4 =	sshrl.u32 s15, $0x1  }
0x7: {  	s24 =	ssub.s32 $0x2, s5;
	s6 =	sor.u32 s5, s21;
	s22 =	sshll.u32 s4, $0x8  }
0x8: {  	s9 =	sshll.u32 s4, $0xE;
	s10 =	smul.u32 $0x3000, s4;
	s11 =	sshrl.u32 s24, $0x1  }
0x9: {  	s13 =	smul.u32 $0x600, s4;
	s5 =	sshll.u32 s5, $0xF;
	s7 =	sshll.u32 s6, $0x6  }
0xa: {  	s6 =	sshll.u32 s6, $0xC;
	s14 =	ssub.s32 s24, s11;
	s24 =	simm.s32 $0x7000  }
0xb: {  	s3 =	sor.u32 s22, s7;
	s6 =	sor.u32 s9, s6;
	s25 =	sshrl.u32 s10, $0x3;
	v0, _, _ =	vpop (xrf0)  }
0xc: {  	s26 =	sadd.s32 s0, s13;
	s17 =	sadd.s32 s23, s13;
	s13 =	smax.u32 s14, $0x1;
	(v2sf) =	vpush v0, $0xF  }
0xd: {  	s8 =	sadd.s32 s3, s2;
	s3 =	sadd.s32 $0x7600, s2;
	s12 =	sadd.s32 s6, s2  }
0xe: {  	s2 =	sadd.s32 $0x67600, s2;
	[dreg:$0x3] =	wrdreg s26;
	s30 =	sadd.s32 $0x200, s25  }
0xf: {  	s9 =	sadd.s32 $0x400, s25;
	[dreg:$0x6] =	wrdreg s17;
	s16 =	sadd.s32 s0, s30  }
0x10: {  	s6 =	sshll.u32 s6, $0x3;
	s0 =	sadd.s32 s0, s9;
	[dreg:$0x4] =	wrdreg s16  }
0x11: {  	s25 =	sand.u32 $0x1, s15;
	s18 =	sadd.s32 s23, s30;
	[dreg:$0x5] =	wrdreg s0  }
0x12: {  	s19 =	sadd.s32 s23, s9;
	s20 =	sadd.s32 $0x6600, s8;
	[dreg:$0x7] =	wrdreg s18  }
0x13: {  	s21 =	sadd.s32 $0x6E00, s8;
	s23 =	sshll.u32 s4, $0xC;
	[dreg:$0x8] =	wrdreg s19  }
0x14: {  	s6 =	sadd.s32 s2, s6;
	s26 =	sadd.s32 $0x47600, s12;
	[dreg:$0x9] =	wrdreg s20  }
0x15: {  	s4 =	sshll.u32 s4, $0x11;
	s8 =	sshll.u32 s25, $0x10;
	[dreg:$0xa] =	wrdreg s21  }
0x16: {  	s25 =	simm.s32 $0x7200;
	[dreg:$0xb] =	wrdreg s26;
	s30 =	sor.u32 s4, s8  }
0x17: {  	s14 =	sadd.s32 $0x7800, s6;
	s4 =	sadd.s32 s4, s2;
	s15 =	sadd.s32 $0x7C00, s6  }
0x18: {  	s18 =	simm.s32 $0x3;
	s19 =	simm.s32 $0x1000;
	s20 =	simm.s32 $0x2000  }
0x19: {  	s26 =	simm.s32 $0x7400;
	s0 =	simm.s32 $0x13400;
	s16 =	sor.u32 s30, s5  }
0x1a: {  	s21 =	simm.s32 $0x2;
	s4 =	sadd.s32 s8, s4;
	s2 =	sadd.s32 s16, s2  }
0x1b: {  	v1 =	vlaneseq.u32;
	s16 =	sadd.s32 s5, s4;
	v0 =	vmov s23;
	s23 =	simm.s32 $0x0;
	s22 =	spop (v2sf)  }
0x1c: {  	v2 =	vimm.f32 $0.0e+00;
	v3 =	vor.u32 $0x10, v1;
	v4 =	vmul.u32 $0x8, v1;
	s17 =	sadd.s32 $0x400, s2;
	s2 =	simm.s32 $0x1;
	p0 =	sgt.f32 s22, $0.0e+00  }
.LBB2_1:
0x1d: {  	s4 =	rddreg [dreg:$0x3]  }
0x1e: {  	[tilespmem:s1], [sflag:$0x3] =	stream.linear.gather [hbm4b:s4+s1], $0x1000, $0x38;
	[tilespmem:$0x15400] =	vst v63  }
0x1f: {  	_ =	swait.ge [sflag:s18], $0x1000  }
0x20: {  	[sflag:s18] =	ssyncset.done $0x0  }
0x21: {  	s6 =	rddreg [dreg:$0x4];
	[sflag:s18] =	ssyncadd.s32 $0xFFFFF000  }
0x22: {  	[tilespmem:s19], [sflag:$0x3] =	stream.linear.gather [hbm4b:s6+s1], $0x1000, $0x38;
	[tilespmem:$0x15400] =	vst v63  }
0x23: {  	_ =	swait.ge [sflag:s18], $0x1000  }
0x24: {  	[sflag:s18] =	ssyncset.done $0x0  }
0x25: {  	s7 =	rddreg [dreg:$0x5];
	[sflag:s18] =	ssyncadd.s32 $0xFFFFF000  }
0x26: {  	[tilespmem:s20], [sflag:$0x3] =	stream.linear.gather [hbm4b:s7+s1], $0x1000, $0x38;
	[tilespmem:$0x15400] =	vst v63  }
0x27: {  	_ =	swait.ge [sflag:s18], $0x1000  }
0x28: {  	[sflag:s18] =	ssyncset.done $0x0  }
0x29: {  	s5 =	simm.s32 $0x3000;
	s8 =	rddreg [dreg:$0x6];
	[sflag:s18] =	ssyncadd.s32 $0xFFFFF000  }
0x2a: {  	[tilespmem:s5], [sflag:$0x3] =	stream.linear.gather [hbm4b:s8+s1], $0x1000, $0x38;
	[tilespmem:$0x15400] =	vst v63  }
0x2b: {  	_ =	swait.ge [sflag:s18], $0x1000  }
0x2c: {  	[sflag:s18] =	ssyncset.done $0x0  }
0x2d: {  	s10 =	simm.s32 $0x4000;
	s9 =	rddreg [dreg:$0x7];
	[sflag:s18] =	ssyncadd.s32 $0xFFFFF000  }
0x2e: {  	[tilespmem:s10], [sflag:$0x3] =	stream.linear.gather [hbm4b:s9+s1], $0x1000, $0x38;
	[tilespmem:$0x15400] =	vst v63  }
0x2f: {  	_ =	swait.ge [sflag:s18], $0x1000  }
0x30: {  	[sflag:s18] =	ssyncset.done $0x0  }
0x31: {  	s12 =	simm.s32 $0x5000;
	s11 =	rddreg [dreg:$0x8];
	[sflag:s18] =	ssyncadd.s32 $0xFFFFF000  }
0x32: {  	[tilespmem:s12], [sflag:$0x3] =	stream.linear.gather [hbm4b:s11+s1], $0x1000, $0x38;
	[tilespmem:$0x15400] =	vst v63  }
0x33: {  	_ =	swait.ge [sflag:s18], $0x1000  }
0x34: {  	[sflag:s18] =	ssyncset.done $0x0  }
0x35: {  	s22 =	rddreg [dreg:$0x9];
	[sflag:s18] =	ssyncadd.s32 $0xFFFFF000  }
0x36: {  	[tilespmem:s24], [sflag:$0x3] =	stream.linear.gather [hbm4b:s22+s1], $0x200, $0x38;
	[tilespmem:$0x15400] =	vst v63  }
0x37: {  	_ =	swait.ge [sflag:s18], $0x200  }
0x38: {  	[sflag:s18] =	ssyncset.done $0x0  }
0x39: {  	s30 =	rddreg [dreg:$0xa];
	[sflag:s18] =	ssyncadd.s32 $0xFFFFFE00  }
0x3a: {  	[tilespmem:s25], [sflag:$0x3] =	stream.linear.gather [hbm4b:s30+s1], $0x200, $0x38;
	[tilespmem:$0x15400] =	vst v63  }
0x3b: {  	_ =	swait.ge [sflag:s18], $0x200  }
0x3c: {  	[sflag:s18] =	ssyncset.done $0x0  }
0x3d: {  	s4 =	simm.s32 $0x0;
	[sflag:s18] =	ssyncadd.s32 $0xFFFFFE00  }
0x3e: {  	v5 =	vld [tilespmem:s4+$0x0]  }
0x3f: {  	v6 =	vld [tilespmem:s4+$0x1000]  }
0x40: {  	v7 =	vld [tilespmem:s4+$0x2000];
	_ =	sdelay $0x2  }
0x41: {  	s5 =	simm.s32 $0x10  }
0x42: {  	v8 =	vmul.f32 v5, v5;
	v6 =	vmul.f32 v6, v6;
	v5 =	vld [tilespmem:s5+$0x0]  }
0x43: {  	v9 =	vmul.f32 v7, v7;
	v7 =	vld [tilespmem:s5+$0x1000]  }
0x44: {  	v8 =	vadd.f32 v6, v8  }
0x45: {  	v6 =	vld [tilespmem:s5+$0x2000]  }
0x46: {  	s6 =	simm.s32 $0x80;
	v8 =	vadd.f32 v9, v8  }
.LBB2_2:
0x47: {  	s7 =	sshra.s32 s6, $0x2;
	p1 =	sne.s32 s6, $0x3FC0  }
.Ltmp0:
0x48: {  	s6 =	sadd.s32 $0x40, s6;
	v9 =	vmul.f32 v5, v5;
	v5 =	vld [tilespmem:s7+$0x0];
	v10 =	vmul.f32 v7, v7;
	[tilespmem:s4+$0x6000] =	vst v8;
	(pc) =	sbr.rel @p1 .LBB2_2-.Ltmp0, $4  }
0x49: {  	s4 =	smov.u32 s5;
	s5 =	smov.u32 s7;
	v7 =	vld [tilespmem:s7+$0x1000]  }
0x4a: {  	v8 =	vadd.f32 v10, v9;
	v9 =	vmul.f32 v6, v6  }
0x4b: {  	v6 =	vld [tilespmem:s5+$0x2000]  }
0x4c: {  	v8 =	vadd.f32 v9, v8  }
0x4d: {  	_ = 	snop  }
0x4e: {  	v5 =	vmul.f32 v5, v5;
	v7 =	vmul.f32 v7, v7;
	_ =	sdelay $0x1  }
.Ltmp1:
0x4f: {  	v5 =	vadd.f32 v7, v5;
	v6 =	vmul.f32 v6, v6;
	(pc) =	sbr.rel .LBB2_4-.Ltmp1, $4  }
0x50: {  	_ = 	snop  }
0x51: {  	v5 =	vadd.f32 v6, v5  }
0x52: {  	[tilespmem:s4+$0x6000] =	vst v8  }
0x53: {  	s30 =	simm.s32 $0x0;
	[tilespmem:s5+$0x6000] =	vst v5  }
.LBB2_7:
0x54: {  	v6 =	vpsel p2, v10, v10  }
.LBB2_8:
0x55: {  	v5 =	vshrl.u32 v5, $0x3  }
0x56: {  	v5 =	vshll.u32 v5, $0x3  }
0x57: {  	v5 =	vbroadcast v5, $0x0;
	_ =	sdelay $0x4  }
0x58: {  	v7 =	vld [tilespmem:s22+$0x7400]  }
0x59: {  	v5 =	vld.idx.msk [tilespmem:v5+s26+$0x0], $0xffff  }
0x5a: {  	v8 =	vld [tilespmem:s22+$0x7410];
	_ =	sdelay $0x1  }
0x5b: {  	s30 =	sadd.s32 $0x1, s30  }
0x5c: {  	vm0 =	vgt.s32 v6, v1;
	p1 =	sne.s32 s30, $0x80  }
.Ltmp2:
0x5d: {  	vm15 =	vgt.s32 v6, v3;
	v7 =	vsel vm0, v7, v5;
	(pc) =	sbr.rel @!p1 .LBB2_9-.Ltmp2, $4  }
0x5e: {  	v5 =	vsel vm15, v8, v5;
	[tilespmem:s22+$0x7400] =	vst v7  }
0x5f: {  	v6 =	vadd.s32 v0, v7;
	[tilespmem:s22+$0x7410] =	vst v5  }
0x60: {  	v5 =	vadd.s32 v0, v5;
	[tilespmem:s22+$0x8400] =	vst v6  }
0x61: {  	[tilespmem:s22+$0x8410] =	vst v5  }
.LBB2_4:
.Ltmp3:
0x62: {  	(pc) =	sbr.rel @!p0 .LBB2_8-.Ltmp3, $3  }
0x63: {  	_ =	sdelay $0x1  }
0x64: {  	s22 =	sshll.u32 s30, $0x5  }
0x65: {  	v6 =	vimm.s32 $0x0;
	v5 =	vmov s22  }
0x66: {  	s4 =	sshll.u32 s30, $0x2  }
0x67: {  	v6 =	vmov s4;
	_ =	sdelay $0x1  }
0x68: {  	v7 =	vor.u32 $0x1, v6;
	_ =	sdelay $0x1  }
0x69: {  	v8 =	vor.u32 $0x2, v6  }
0x6a: {  	v9 =	vld.idx.msk [tilespmem:v6+s25+$0x0], $0xffff  }
0x6b: {  	v6 =	vld.idx.msk [tilespmem:v6+s24+$0x0], $0xffff  }
0x6c: {  	v10 =	vld.idx.msk [tilespmem:v7+s24+$0x0], $0xffff  }
0x6d: {  	v7 =	vld.idx.msk [tilespmem:v7+s25+$0x0], $0xffff  }
0x6e: {  	v11 =	vld.idx.msk [tilespmem:v8+s24+$0x0], $0xffff  }
0x6f: {  	v8 =	vld.idx.msk [tilespmem:v8+s25+$0x0], $0xffff;
	_ =	sdelay $0x1  }
0x70: {  	v12 =	vmul.f32 v6, v6;
	v10 =	vmul.f32 v10, v10;
	_ =	sdelay $0x1  }
0x71: {  	v6 =	vmul.f32 $-2.000000000e+00, v9;
	v9 =	vadd.f32 v10, v12;
	v10 =	vmul.f32 v11, v11  }
0x72: {  	s8 =	simm.s32 $0x0;
	s5 =	simm.s32 $0x6020;
	v7 =	vmul.f32 $-2.000000000e+00, v7;
	v8 =	vmul.f32 $-2.000000000e+00, v8  }
0x73: {  	s6 =	simm.s32 $0x3020;
	s7 =	simm.s32 $0x4020;
	s4 =	simm.s32 $0x5020;
	v11 =	vbroadcast v5, $0x0;
	v9 =	vadd.f32 v10, v9;
	v10 =	vimm.s32 $0x0  }
.LBB2_6:
0x74: {  	v12 =	vld [tilespmem:s6+$0xFFFFFFE0]  }
0x75: {  	v13 =	vld [tilespmem:s7+$0xFFFFFFE0]  }
0x76: {  	v14 =	vld [tilespmem:s4+$0xFFFFFFE0]  }
0x77: {  	v15 =	vld [tilespmem:s6+$0xFFFFFFF0]  }
0x78: {  	v16 =	vld [tilespmem:s7+$0xFFFFFFF0]  }
0x79: {  	v17 =	vld [tilespmem:s4+$0xFFFFFFF0]  }
0x7a: {  	v18 =	vld [tilespmem:s6+$0x0]  }
0x7b: {  	v19 =	vld [tilespmem:s7+$0x0]  }
0x7c: {  	v20 =	vld [tilespmem:s6+$0x10]  }
0x7d: {  	v21 =	vld [tilespmem:s7+$0x10]  }
0x7e: {  	v22 =	vld [tilespmem:s4+$0x0];
	v12 =	vmul.f32 v12, v6;
	v13 =	vmul.f32 v13, v7  }
0x7f: {  	v23 =	vld [tilespmem:s4+$0x10];
	v14 =	vmul.f32 v14, v8;
	v15 =	vmul.f32 v15, v6  }
0x80: {  	v16 =	vmul.f32 v16, v7;
	v17 =	vmul.f32 v17, v8  }
0x81: {  	v49 =	vmul.f32 v18, v6;
	v50 =	vmul.f32 v19, v7  }
0x82: {  	v52 =	vmul.f32 v20, v6;
	v53 =	vmul.f32 v21, v7  }
0x83: {  	v51 =	vld [tilespmem:s5+$0xFFFFFFE0];
	v55 =	vmul.f32 v22, v8;
	v12 =	vadd.f32 v13, v12;
	v15 =	vadd.f32 v16, v15  }
0x84: {  	v54 =	vld [tilespmem:s5+$0xFFFFFFF0];
	v58 =	vmul.f32 v23, v8;
	v13 =	vadd.f32 v50, v49;
	v56 =	vadd.f32 v53, v52  }
0x85: {  	v57 =	vld [tilespmem:s5+$0x0];
	v12 =	vadd.f32 v14, v12;
	v15 =	vadd.f32 v17, v15  }
0x86: {  	v59 =	vld [tilespmem:s5+$0x10];
	v13 =	vadd.f32 v55, v13;
	v17 =	vadd.f32 v58, v56  }
0x87: {  	v12 =	vadd.f32 v12, v9;
	v15 =	vadd.f32 v15, v9  }
0x88: {  	v13 =	vadd.f32 v13, v9;
	v60 =	vadd.f32 v17, v9  }
0x89: {  	v12 =	vadd.f32 v12, v51;
	v14 =	vadd.f32 v15, v54  }
0x8a: {  	v13 =	vadd.f32 v13, v57  }
0x8b: {  	v15 =	vadd.f32 v60, v59;
	vm0 =	vle.f32 v12, $3.999999910e-02;
	vm1 =	vle.f32 v14, $3.999999910e-02  }
0x8c: {  	vm2 =	vle.f32 v13, $3.999999910e-02;
	vm0 =	vmor vm0, vm1  }
0x8d: {  	vm15 =	vle.f32 v15, $3.999999910e-02;
	vm0 =	vmor vm0, vm2  }
0x8e: {  	vm0 =	vmor vm0, vm15  }
0x8f: {  	v61 =	vsel vm0, $0x3F800000, v2  }
0x90: {  	(xrf0) =	vmax.scan.msk.f32 $0xffff, v61;
	_ =	sdelay $0x5  }
0x91: {  	v16, _, _ =	vpop (xrf0)  }
0x92: {  	(v2sf) =	vpush v16, $0xF;
	_ =	sdelay $0xe  }
0x93: {  	s9 =	spop (v2sf)  }
0x94: {  	p1 =	sgt.f32 s9, $0.0e+00;
	_ =	sdelay $0x1  }
0x95: {  	vm3 =	vle.f32 @p1 v12, $3.999999910e-02;
	v12 =	vimm.s32 @p1 $0x0  }
0x96: {  	v16 =	vsel @p1 vm3, $0x1, v12  }
0x97: {  	(xrf0) =	vadd.scan.msk.s32 @p1 $0xffff, v16  }
0x98: {  	vm2 =	vle.f32 @p1 v14, $3.999999910e-02;
	v14 =	vmpcnt.ones.xlane @p1 vm3  }
0x99: {  	vm1 =	vle.f32 @p1 v13, $3.999999910e-02;
	v13 =	vmpcnt.ones.xlane @p1 vm2  }
0x9a: {  	vm0 =	vle.f32 @p1 v15, $3.999999910e-02;
	v15 =	vmpcnt.ones.xlane @p1 vm1;
	v14 =	vadd.s32 @p1 v10, v14  }
0x9b: {  	v16 =	vmpcnt.ones.xlane @p1 vm0;
	v13 =	vadd.s32 @p1 v14, v13  }
0x9c: {  	v15 =	vadd.s32 @p1 v13, v15  }
0x9d: {  	v18 =	vsel @p1 vm2, $0x1, v12;
	v16 =	vadd.s32 @p1 v15, v16;
	v17, _, _ =	vpop @p1 (xrf0)  }
0x9e: {  	(xrf0) =	vadd.scan.msk.s32 @p1 $0xffff, v18;
	v18 =	vsel @p1 vm1, $0x1, v12;
	v17 =	vadd.s32 @p1 v17, v10;
	v10 =	vpsel p1, v16, v10  }
0x9f: {  	v12 =	vsel @p1 vm0, $0x1, v12;
	(xrf0) =	vadd.scan.msk.s32 @p1 $0xffff, v18;
	vm4 =	vlt.s32 v10, $0x20  }
0xa0: {  	(xrf0) =	vadd.scan.msk.s32 @p1 $0xffff, v12;
	v62 =	vsel vm4, $0x3F800000, v2  }
0xa1: {  	(xrf0) =	vmax.scan.msk.f32 $0xffff, v62;
	_ =	sdelay $0x2  }
0xa2: {  	v12, _, _ =	vpop @p1 (xrf0)  }
0xa3: {  	v16, _, _ =	vpop @p1 (xrf0)  }
0xa4: {  	v18, _, _ =	vpop @p1 (xrf0)  }
0xa5: {  	v63, _, _ =	vpop (xrf0)  }
0xa6: {  	(v2sf) =	vpush v63, $0xF;
	_ =	sdelay $0x9  }
0xa7: {  	v17 =	vadd.s32 @p1 $0xFFFFFFFF, v17  }
0xa8: {  	vm4 =	vlt.s32 @p1 v17, $0x20  }
0xa9: {  	vm3 =	vmand @p1 vm3, vm4;
	v12 =	vadd.s32 @p1 v14, v12  }
0xaa: {  	v14 =	vadd.s32 @p1 v11, v17;
	v12 =	vadd.s32 @p1 $0xFFFFFFFF, v12;
	v13 =	vadd.s32 @p1 v13, v16  }
0xab: {  	vm4 =	vlt.s32 @p1 v12, $0x20;
	v13 =	vadd.s32 @p1 $0xFFFFFFFF, v13;
	v15 =	vadd.s32 @p1 v15, v18  }
0xac: {  	p2 =	sgt.u32 s8, $0xFBF;
	vm2 =	vmand @p1 vm2, vm4;
	vm4 =	vlt.s32 @p1 v13, $0x20;
	v15 =	vadd.s32 @p1 $0xFFFFFFFF, v15;
	s11 =	spop (v2sf)  }
0xad: {  	v12 =	vadd.s32 @p1 v11, v12;
	vm1 =	vmand @p1 vm1, vm4;
	vm4 =	vlt.s32 @p1 v15, $0x20;
	p3 =	sgt.f32 @!p2 s11, $0.0e+00  }
0xae: {  	v13 =	vadd.s32 @p1 v11, v13;
	vm0 =	vmand @p1 vm0, vm4  }
0xaf: {  	v16 =	vlaneseq.u32 @p1;
	v15 =	vadd.s32 @p1 v11, v15;
	p3 =	por p2, !p3  }
.Ltmp4:
0xb0: {  	s9 =	sadd.s32 $0x10, s8;
	s10 =	simm.s32 @p1 $0x7400;
	v17 =	vor.u32 @p1 s8, v16;
	(pc) =	sbr.rel @!p3 .LBB2_6-.Ltmp4, $4  }
0xb1: {  	s12 =	sadd.s32 $0x20, s8;
	[tilespmem:v14+s10+$0x0] =	vst.idx.msk @p1 vm3, v17;
	v14 =	vor.u32 @p1 s9, v16  }
0xb2: {  	s9 =	sadd.s32 $0x30, s8;
	[tilespmem:v12+s10+$0x0] =	vst.idx.msk @p1 vm2, v14;
	v12 =	vor.u32 @p1 s12, v16  }
0xb3: {  	s4 =	sadd.s32 $0x40, s4;
	s5 =	sadd.s32 $0x40, s5;
	[tilespmem:v13+s10+$0x0] =	vst.idx.msk @p1 vm1, v12;
	v12 =	vor.u32 @p1 s9, v16  }
0xb4: {  	s6 =	sadd.s32 $0x40, s6;
	s7 =	sadd.s32 $0x40, s7;
	s8 =	sadd.s32 $0x40, s8;
	[tilespmem:v15+s10+$0x0] =	vst.idx.msk @p1 vm0, v12  }
.Ltmp5:
0xb5: {  	_ = 	snop;
	(pc) =	sbr.rel .LBB2_7-.Ltmp5, $1  }
0xb6: {  	_ =	sdelay $0x3  }
.LBB2_9:
0xb7: {  	s4 =	simm.s32 $0x0;
	s5 =	simm.s32 $0x7410  }
.LBB2_10:
0xb8: {  	v5 =	vld [tilespmem:s5+$0xFFFFFFF0]  }
0xb9: {  	v6 =	vld [tilespmem:s5+$0x0];
	_ =	sdelay $0x6  }
0xba: {  	v7 =	vld.idx.msk [tilespmem:v5+s1+$0x0], $0xffff  }
0xbb: {  	v8 =	vld.idx.msk [tilespmem:v6+s1+$0x0], $0xffff  }
0xbc: {  	v9 =	vld.idx.msk [tilespmem:v5+s19+$0x0], $0xffff  }
0xbd: {  	v10 =	vld.idx.msk [tilespmem:v6+s19+$0x0], $0xffff  }
0xbe: {  	v5 =	vld.idx.msk [tilespmem:v5+s20+$0x0], $0xffff  }
0xbf: {  	v6 =	vld.idx.msk [tilespmem:v6+s20+$0x0], $0xffff;
	(xrf2) =	vadd.scan.msk.f32 $0xffff, v7  }
0xc0: {  	(xrf2) =	vadd.scan.msk.f32 $0xffff, v8  }
0xc1: {  	(xrf2) =	vadd.scan.msk.f32 $0xffff, v9  }
0xc2: {  	(xrf2) =	vadd.scan.msk.f32 $0xffff, v10  }
0xc3: {  	(xrf2) =	vadd.scan.msk.f32 $0xffff, v5  }
0xc4: {  	(xrf2) =	vadd.scan.msk.f32 $0xffff, v6;
	_ =	sdelay $0x4  }
0xc5: {  	v11, _, _ =	vpop (xrf2)  }
0xc6: {  	v12, _, _ =	vpop (xrf2);
	(v2sf) =	vpush v11, $0xF  }
0xc7: {  	v43, _, _ =	vpop (xrf2);
	(v2sf) =	vpush v12, $0xF  }
0xc8: {  	v44, _, _ =	vpop (xrf2);
	(v2sf) =	vpush v43, $0xF  }
0xc9: {  	v45, _, _ =	vpop (xrf2);
	(v2sf) =	vpush v44, $0xF  }
0xca: {  	(v2sf) =	vpush v45, $0xF;
	v46, _, _ =	vpop (xrf2)  }
0xcb: {  	(v2sf) =	vpush v46, $0xF;
	_ =	sdelay $0x9  }
0xcc: {  	s6 =	spop (v2sf)  }
0xcd: {  	s7 =	spop (v2sf)  }
0xce: {  	s8 =	spop (v2sf)  }
0xcf: {  	s6 =	sadd.f32 s7, s6;
	s9 =	spop (v2sf)  }
0xd0: {  	s9 =	sadd.f32 s9, s8;
	s10 =	spop (v2sf)  }
0xd1: {  	s6 =	smul.f32 $3.125000000e-02, s6;
	s11 =	spop (v2sf)  }
0xd2: {  	s7 =	smul.f32 $3.125000000e-02, s9;
	s8 =	sadd.f32 s11, s10  }
0xd3: {  	_ = 	snop  }
0xd4: {  	v47 =	vmov s6;
	s8 =	smul.f32 $3.125000000e-02, s8;
	v48 =	vmov s7  }
0xd5: {  	v7 =	vsub.f32 v7, v47;
	v9 =	vsub.f32 v9, v48  }
0xd6: {  	v8 =	vsub.f32 v8, v47;
	v10 =	vsub.f32 v10, v48;
	v13 =	vmov s8  }
0xd7: {  	v49 =	vmul.f32 v7, v7;
	v5 =	vsub.f32 v5, v13;
	v50 =	vmul.f32 v9, v9  }
0xd8: {  	v51 =	vmul.f32 v8, v8;
	v6 =	vsub.f32 v6, v13;
	v14 =	vmul.f32 v10, v10  }
0xd9: {  	v11 =	vadd.f32 v50, v49;
	v52 =	vmul.f32 v5, v5  }
0xda: {  	v13 =	vadd.f32 v14, v51;
	v53 =	vmul.f32 v6, v6  }
0xdb: {  	v11 =	vadd.f32 v52, v11  }
0xdc: {  	v54 =	vadd.f32 v53, v13  }
0xdd: {  	(xrf0) =	vmax.scan.msk.f32 $0xffff, v11  }
0xde: {  	(xrf0) =	vmax.scan.msk.f32 $0xffff, v54;
	_ =	sdelay $0x4  }
0xdf: {  	v11, _, _ =	vpop (xrf0)  }
0xe0: {  	(v2sf) =	vpush v11, $0xF;
	v55, _, _ =	vpop (xrf0)  }
0xe1: {  	(v2sf) =	vpush v55, $0xF;
	_ =	sdelay $0xd  }
0xe2: {  	s12 =	spop (v2sf)  }
0xe3: {  	s22 =	spop (v2sf)  }
0xe4: {  	s6 =	smax.f32 s12, s22  }
0xe5: {  	v56 =	vmov s6  }
0xe6: {  	v57 =	vshra.s32 v56, $0x1;
	v11 =	vmul.f32 $5.000000000e-01, v56  }
0xe7: {  	v12 =	vsub.s32 $0x5F3759DF, v57  }
0xe8: {  	v58 =	vmul.f32 v12, v11;
	_ =	sdelay $0x1  }
0xe9: {  	v13 =	vmul.f32 v12, v58;
	_ =	sdelay $0x1  }
0xea: {  	v13 =	vsub.f32 $1.500000000e+00, v13;
	_ =	sdelay $0x1  }
0xeb: {  	v12 =	vmul.f32 v12, v13;
	_ =	sdelay $0x1  }
0xec: {  	v13 =	vmul.f32 v12, v11;
	_ =	sdelay $0x1  }
0xed: {  	v13 =	vmul.f32 v13, v12;
	_ =	sdelay $0x1  }
0xee: {  	v13 =	vsub.f32 $1.500000000e+00, v13;
	_ =	sdelay $0x1  }
0xef: {  	v12 =	vmul.f32 v13, v12;
	_ =	sdelay $0x1  }
0xf0: {  	v13 =	vmul.f32 v12, v11;
	_ =	sdelay $0x1  }
0xf1: {  	v13 =	vmul.f32 v13, v12;
	_ =	sdelay $0x1  }
0xf2: {  	v13 =	vsub.f32 $1.500000000e+00, v13;
	_ =	sdelay $0x1  }
0xf3: {  	v12 =	vmul.f32 v13, v12;
	_ =	sdelay $0x1  }
0xf4: {  	v11 =	vmul.f32 v12, v11;
	_ =	sdelay $0x1  }
0xf5: {  	v11 =	vmul.f32 v11, v12  }
0xf6: {  	v59 =	vmov s4  }
0xf7: {  	v13 =	vshll.u32 v59, $0x3;
	v11 =	vsub.f32 $1.500000000e+00, v11  }
0xf8: {  	v13 =	vor.u32 v4, v13  }
0xf9: {  	s30 =	sadd.s32 $0x10, s4;
	v60 =	vor.u32 $0x1, v13;
	v11 =	vmul.f32 v11, v12  }
0xfa: {  	v61 =	vmov s30;
	v15 =	vor.u32 $0x2, v13  }
0xfb: {  	v14 =	vshll.u32 v61, $0x3;
	v16 =	vor.u32 $0x3, v13;
	v7 =	vmul.f32 v11, v7  }
0xfc: {  	v14 =	vor.u32 v4, v14;
	v9 =	vmul.f32 v11, v9  }
0xfd: {  	v5 =	vmul.f32 v11, v5;
	[tilespmem:v13+s28+$0x0] =	vst.idx.msk $0xffff, v7;
	v7 =	vor.u32 $0x1, v14  }
0xfe: {  	v62 =	vor.u32 $0x2, v14;
	[tilespmem:v60+s28+$0x0] =	vst.idx.msk $0xffff, v9  }
0xff: {  	p1 =	sne.s32 s4, $0xFE0;
	v63 =	vor.u32 $0x3, v14;
	[tilespmem:v15+s28+$0x0] =	vst.idx.msk $0xffff, v5;
	v5 =	vmul.f32 v11, v8  }
.Ltmp6:
0x100: {  	v10 =	vmul.f32 v11, v10;
	[tilespmem:v16+s28+$0x0] =	vst.idx.msk $0xffff, v2;
	(pc) =	sbr.rel @p1 .LBB2_10-.Ltmp6, $4  }
0x101: {  	[tilespmem:v14+s28+$0x0] =	vst.idx.msk $0xffff, v5;
	v5 =	vmul.f32 v11, v6  }
0x102: {  	[tilespmem:v7+s28+$0x0] =	vst.idx.msk $0xffff, v10  }
0x103: {  	[tilespmem:v62+s28+$0x0] =	vst.idx.msk $0xffff, v5  }
0x104: {  	s5 =	sadd.s32 $0x20, s5;
	s4 =	sadd.s32 $0x20, s4;
	[tilespmem:v63+s28+$0x0] =	vst.idx.msk $0xffff, v2  }
0x105: {  	s4 =	simm.s32 $0x8400  }
0x106: {  	[tilespmem:s31], [sflag:$0x1] =	stream.indirect.gather [hbm4b:s3+s29], $0x40, s4, s29, $0xb8;
	[tilespmem:$0x15400] =	vst v63  }
0x107: {  	s4 =	simm.s32 $0x8480  }
0x108: {  	[tilespmem:s0], [sflag:$0x2] =	stream.indirect.gather [hbm4b:s3+s29], $0x40, s4, s29, $0xb8;
	[tilespmem:$0x15400] =	vst v63  }
0x109: {  	_ =	swait.ge [sflag:s2], $0x2000  }
0x10a: {  	[sflag:s2] =	ssyncset.done $0x0  }
0x10b: {  	s5 =	sadd.s32 $0x0, s16;
	[sflag:s2] =	ssyncadd.s32 $0xFFFFE000  }
0x10c: {  	[hbm4b:s5+s1] =	stream.linear.scatter [tilespmem:s31], [sflag:$0x3], $0x2000, $0x38;
	[tilespmem:$0x15400] =	vst v63  }
0x10d: {  	_ =	swait.ge [sflag:s18], $0x2000  }
0x10e: {  	[sflag:s18] =	ssyncset.done $0x0  }
0x10f: {  	s22 =	simm.s32 $0x8500;
	[sflag:s18] =	ssyncadd.s32 $0xFFFFE000  }
0x110: {  	[tilespmem:s31], [sflag:$0x1] =	stream.indirect.gather [hbm4b:s3+s29], $0x40, s22, s29, $0xb8;
	[tilespmem:$0x15400] =	vst v63  }
0x111: {  	_ =	swait.ge [sflag:s21], $0x2000  }
0x112: {  	[sflag:s21] =	ssyncset.done $0x0  }
0x113: {  	s30 =	sadd.s32 $0x0, s17;
	[sflag:s21] =	ssyncadd.s32 $0xFFFFE000  }
0x114: {  	[hbm4b:s30+s1] =	stream.linear.scatter [tilespmem:s0], [sflag:$0x3], $0x2000, $0x38;
	[tilespmem:$0x15400] =	vst v63  }
0x115: {  	_ =	swait.ge [sflag:s18], $0x2000  }
0x116: {  	s5 =	simm.s32 $0x800;
	[sflag:s18] =	ssyncset.done $0x0  }
.LBB2_12:
0x117: {  	p1 =	sne.s32 s5, $0x7000;
	[sflag:s18] =	ssyncadd.s32 $0xFFFFE000;
	s4 =	sadd.s32 $0x100, s4  }
0x118: {  	[tilespmem:s0], [sflag:$0x2] =	stream.indirect.gather [hbm4b:s3+s29], $0x40, s4, s29, $0xb8;
	[tilespmem:$0x15400] =	vst v63  }
0x119: {  	s6 =	smov.u32 s5;
	s5 =	sadd.s32 $0x800, s5;
	_ =	swait.ge [sflag:s2], $0x2000  }
0x11a: {  	[sflag:s2] =	ssyncset.done $0x0  }
0x11b: {  	s7 =	sadd.s32 s6, s16;
	[sflag:s2] =	ssyncadd.s32 $0xFFFFE000  }
0x11c: {  	[hbm4b:s7+s1] =	stream.linear.scatter [tilespmem:s31], [sflag:$0x3], $0x2000, $0x38;
	[tilespmem:$0x15400] =	vst v63  }
0x11d: {  	_ =	swait.ge [sflag:s18], $0x2000  }
0x11e: {  	[sflag:s18] =	ssyncset.done $0x0  }
0x11f: {  	s7 =	sadd.s32 $0x80, s4;
	[sflag:s18] =	ssyncadd.s32 $0xFFFFE000  }
0x120: {  	[tilespmem:s31], [sflag:$0x1] =	stream.indirect.gather [hbm4b:s3+s29], $0x40, s7, s29, $0xb8;
	[tilespmem:$0x15400] =	vst v63  }
0x121: {  	_ =	swait.ge [sflag:s21], $0x2000  }
.Ltmp7:
0x122: {  	[sflag:s21] =	ssyncset.done $0x0;
	(pc) =	sbr.rel @p1 .LBB2_12-.Ltmp7, $4  }
0x123: {  	s6 =	sadd.s32 s6, s17;
	[sflag:s21] =	ssyncadd.s32 $0xFFFFE000  }
0x124: {  	[hbm4b:s6+s1] =	stream.linear.scatter [tilespmem:s0], [sflag:$0x3], $0x2000, $0x38;
	[tilespmem:$0x15400] =	vst v63  }
0x125: {  	_ =	swait.ge [sflag:s18], $0x2000  }
0x126: {  	[sflag:s18] =	ssyncset.done $0x0  }
0x127: {  	[sflag:s18] =	ssyncadd.s32 $0xFFFFE000;
	s4 =	simm.s32 $0x9380  }
0x128: {  	[tilespmem:s0], [sflag:$0x2] =	stream.indirect.gather [hbm4b:s3+s29], $0x40, s4, s29, $0xb8;
	[tilespmem:$0x15400] =	vst v63  }
0x129: {  	_ =	swait.ge [sflag:s2], $0x2000  }
0x12a: {  	[sflag:s2] =	ssyncset.done $0x0  }
0x12b: {  	[sflag:s2] =	ssyncadd.s32 $0xFFFFE000  }
0x12c: {  	[hbm4b:s14+s1] =	stream.linear.scatter [tilespmem:s31], [sflag:$0x3], $0x2000, $0x38;
	[tilespmem:$0x15400] =	vst v63  }
0x12d: {  	_ =	swait.ge [sflag:s18], $0x2000  }
0x12e: {  	[sflag:s18] =	ssyncset.done $0x0  }
0x12f: {  	[sflag:s18] =	ssyncadd.s32 $0xFFFFE000  }
0x130: {  	_ =	swait.ge [sflag:s21], $0x2000  }
0x131: {  	[sflag:s21] =	ssyncset.done $0x0  }
0x132: {  	[sflag:s21] =	ssyncadd.s32 $0xFFFFE000  }
0x133: {  	[hbm4b:s15+s1] =	stream.linear.scatter [tilespmem:s0], [sflag:$0x3], $0x2000, $0x38;
	[tilespmem:$0x15400] =	vst v63  }
0x134: {  	s23 =	sadd.s32 $0x1, s23;
	_ =	swait.ge [sflag:s18], $0x2000  }
0x135: {  	p1 =	sne.s32 s23, s13;
	[sflag:s18] =	ssyncset.done $0x0  }
.Ltmp8:
0x136: {  	s30 =	rddreg [dreg:$0xb];
	[sflag:s18] =	ssyncadd.s32 $0xFFFFE000;
	(pc) =	sbr.rel @p1 .LBB2_1-.Ltmp8, $4  }
0x137: {  	[hbm4b:s30+s1] =	stream.linear.scatter [tilespmem:s28], [sflag:$0x3], $0x8000, $0x38;
	[tilespmem:$0x15400] =	vst v63  }
0x138: {  	_ =	swait.ge [sflag:s18], $0x8000  }
0x139: {  	[sflag:s18] =	ssyncset.done $0x0  }
0x13a: {  	[sflag:s18] =	ssyncadd.s32 $0xFFFF8000  }
0x13b: {  	_ =	sfence.sel $0x180000  }
0x13c: {  	[bflag:$0x0] =	sbarrier.arrive $0xFFFF  }
0x13d: {  	_ =	strace $0x90000047  }
0x13e: {  	s0 =	stileid.u32;
	[bflag:$0x2] =	sbarrier.arrive $0xFFFF  }
0x13f: {  	p0 =	sne.s32 s0, $0x0;
	s0 =	rddreg [dreg:$0x2]  }
0x140: {  	s0 =	sadd.s32 @!p0 $0x100000, s0  }
0x141: {  	[sflag:s0] =	ssyncadd.tile.s32 @!p0 $0x1;
	_ =	shalt  }
.Lfunc_end2:
_tile_overlayer_lowered:
.L_overlay_start_2:
0x142: {  	(tag) =	ssettag $0x2  }
0x143: {  	s0 =	rddreg [dreg:$0x0];
	s2 =	stileid.u32  }
0x144: {  	s1 =	rddreg [dreg:$0x1];
	p0 =	sne.s32 s2, $0x0  }
0x145: {  	s3 =	rddreg [dreg:$0x2];
	[bflag:$0x3] =	sbarrier.arrive $0xFFFF;
	s2 =	simm.s32 @!p0 $0x1C03  }
0x146: {  	[timem:s3], [sflag:s2] =	dma.local @!p0 [hbm:s0], s1  }
0x147: {  	s0 =	simm.s32 @!p0 $0x3  }
0x148: {  	_ =	swait.ge @!p0 [sflag:s0], s1  }
0x149: {  	s1 =	ssub.s32 @!p0 $0x0, s1;
	[sflag:s0] =	ssyncset.done @!p0 $0x0  }
0x14a: {  	[sflag:s0] =	ssyncadd.s32 @!p0 s1  }
0x14b: {  	[bflag:$0x3] =	sbarrier.arrive $0xFFFF  }
0x14c: {  	_ =	shalt  }

</sc_bundles>
